<compile_context>
chip_gen: v7x
topology: tpu7x:2x2x1
jax: 0.10.2.dev20260603
libtpu: 0.0.44.dev20260713+nightly
codegen_flags: <defaults>
</compile_context>

<pallas_src>
import functools

import jax
import jax.numpy as jnp
from jax import lax
from jax.experimental import pallas as pl
from jax.experimental.pallas import tpu as pltpu
from jax.experimental.pallas import tpu_sc as plsc

_M = 50000
_K = 16
_C = 64
_W = 16
_COUT = 64
_MK = _M * _K
_D = 128
_MB = 400
_CH = 1000


def _sc_gather(table, idx):
    info = plsc.get_sparse_core_info()
    nc, ns = info.num_cores, info.num_subcores
    nw = nc * ns
    rows_per = _MK // nw
    nch = rows_per // _CH

    @functools.partial(
        pl.kernel,
        mesh=plsc.VectorSubcoreMesh(core_axis_name="c", subcore_axis_name="s"),
        out_type=jax.ShapeDtypeStruct((_MK, _D), jnp.float32),
        scratch_types=[
            pltpu.VMEM((_CH,), jnp.int32),
            pltpu.VMEM((_CH, _D), jnp.float32),
            pltpu.SemaphoreType.DMA,
        ],
    )
    def gather_kernel(table_hbm, idx_hbm, out_hbm, idx_v, rows_v, sem):
        wid = lax.axis_index("s") * nc + lax.axis_index("c")
        base = wid * rows_per

        def step(i, carry):
            off = base + i * _CH
            pltpu.sync_copy(idx_hbm.at[pl.ds(off, _CH)], idx_v)
            pltpu.async_copy(table_hbm.at[idx_v], rows_v, sem).wait()
            pltpu.sync_copy(rows_v, out_hbm.at[pl.ds(off, _CH)])
            return carry

        lax.fori_loop(0, nch, step, 0)

    return gather_kernel(table, idx)


def _ln_act(x, g, b, act):
    n = x.shape[-1]
    avg = jnp.full((n, n), 1.0 / n, jnp.float32)
    mu = jnp.dot(x, avg, preferred_element_type=jnp.float32)
    ex2 = jnp.dot(x * x, avg, preferred_element_type=jnp.float32)
    var = ex2 - mu * mu
    y = (x - mu) * lax.rsqrt(var + 1e-5) * g + b
    if act:
        y = jnp.where(y >= 0, y, 0.1 * y)
    return y


def _tc_body(g_ref, dx_ref, df_ref,
             w0_ref, b0_ref, g0_ref, t0_ref,
             w1_ref, b1_ref, g1_ref, t1_ref,
             w2_ref, b2_ref, g2_ref, t2_ref,
             bm_ref, lw_ref, lb_ref, lg_ref, lt_ref,
             out_ref, loc_ref):
    mbk = _MB * _K
    g = g_ref[...]
    feat3 = g[:, :, :_C]
    gx3 = g[:, :, _C:_C + 3]
    dx = dx_ref[...]
    loc3 = gx3 - dx[None]
    loc_ref[...] = loc3

    loc = loc3.reshape(mbk, 3)
    h = jnp.dot(loc, w0_ref[...], preferred_element_type=jnp.float32)
    h = _ln_act(h + b0_ref[...], g0_ref[...], t0_ref[...], True)
    h = jnp.dot(h, w1_ref[...], preferred_element_type=jnp.float32)
    h = _ln_act(h + b1_ref[...], g1_ref[...], t1_ref[...], True)
    h = jnp.dot(h, w2_ref[...], preferred_element_type=jnp.float32)
    hw = _ln_act(h + b2_ref[...], g2_ref[...], t2_ref[...], False)
    hw3 = hw.reshape(_K, _MB, _W)

    bm = bm_ref[...]
    acc = jnp.zeros((_MB, _C * _W), jnp.float32)
    for k in range(_K):
        ft = jnp.concatenate([feat3[k]] * _W, axis=1)
        rep = jnp.dot(hw3[k], bm, preferred_element_type=jnp.float32)
        acc = acc + ft * rep
    y = jnp.dot(acc, lw_ref[...], preferred_element_type=jnp.float32)
    y = _ln_act(y + lb_ref[...], lg_ref[...], lt_ref[...], True)
    out_ref[...] = y + df_ref[...]


def _full(shape):
    return pl.BlockSpec(shape, lambda i: (0, 0))


_IN_SPECS = [
    pl.BlockSpec((_K, _MB, _D), lambda i: (0, i, 0)),
    pl.BlockSpec((_MB, 3), lambda i: (i, 0)),
    pl.BlockSpec((_MB, _COUT), lambda i: (i, 0)),
    _full((3, _W)), _full((1, _W)), _full((1, _W)), _full((1, _W)),
    _full((_W, _W)), _full((1, _W)), _full((1, _W)), _full((1, _W)),
    _full((_W, _W)), _full((1, _W)), _full((1, _W)), _full((1, _W)),
    _full((_W, _C * _W)),
    _full((_C * _W, _COUT)), _full((1, _COUT)), _full((1, _COUT)),
    _full((1, _COUT)),
]
_OUT_SPECS = [
    pl.BlockSpec((_MB, _COUT), lambda i: (i, 0)),
    pl.BlockSpec((_K, _MB, 3), lambda i: (0, i, 0)),
]
_OUT_SHAPES = [
    jax.ShapeDtypeStruct((_M, _COUT), jnp.float32),
    jax.ShapeDtypeStruct((_K, _M, 3), jnp.float32),
]


def kernel(sparse_xyz, sparse_feats, nei_inds, sparse_xyz_norm, dense_xyz,
           dense_xyz_norm, dense_feats,
           wn_w0, wn_b0, wn_g0, wn_beta0,
           wn_w1, wn_b1, wn_g1, wn_beta1,
           wn_w2, wn_b2, wn_g2, wn_beta2,
           lin_w, lin_b, lin_g, lin_beta):
    n = sparse_xyz.shape[1]
    table = jnp.concatenate(
        [sparse_feats[0], sparse_xyz[0],
         jnp.zeros((n, _D - _C - 3), jnp.float32)], axis=1)
    idx = nei_inds[0].T.reshape(_MK).astype(jnp.int32)
    gathered = _sc_gather(table, idx).reshape(_K, _M, _D)

    lw = lin_w.reshape(_C, _W, _COUT).transpose(1, 0, 2).reshape(_C * _W, _COUT)
    bm = jnp.repeat(jnp.eye(_W, dtype=jnp.float32), _C, axis=1)

    operands = (
        gathered, dense_xyz[0], dense_feats[0],
        wn_w0, wn_b0.reshape(1, -1), wn_g0.reshape(1, -1), wn_beta0.reshape(1, -1),
        wn_w1, wn_b1.reshape(1, -1), wn_g1.reshape(1, -1), wn_beta1.reshape(1, -1),
        wn_w2, wn_b2.reshape(1, -1), wn_g2.reshape(1, -1), wn_beta2.reshape(1, -1),
        bm, lw, lin_b.reshape(1, -1), lin_g.reshape(1, -1), lin_beta.reshape(1, -1),
    )
    new_feat, loc = pl.pallas_call(
        _tc_body,
        grid=(_M // _MB,),
        in_specs=_IN_SPECS,
        out_specs=_OUT_SPECS,
        out_shape=_OUT_SHAPES,
    )(*operands)
    return new_feat[None], loc.transpose(1, 0, 2)[None]

# --- scband reference (transcript-rebuilt; emitter-appended) ---
"""Pipeline reference for scband-point-conv-transpose-21294447854193 (READ-ONLY COPY).

The authoritative reference and input builder live on the scoring server;
editing this copy changes nothing except your own understanding.
"""

import jax, jax.numpy as jnp
import numpy as np


def _ln(x, g, b, eps=1e-5):
    m = jnp.mean(x, axis=-1, keepdims=True)
    v = jnp.var(x, axis=-1, keepdims=True)
    return (x - m) / jnp.sqrt(v + eps) * g + b


def _index_points(points, idx):
    # points: [B, N, C]; idx: [B, M, K] -> [B, M, K, C]
    return jax.vmap(lambda p, i: p[i])(points, idx)


def setup_inputs(seed: int = 0) -> dict:
    key = jax.random.key(seed)
    ks = jax.random.split(key, 24)
    B, N, M, K, C, Cout, Wmid = 1, 12500, 50000, 16, 64, 64, 16
    inp = {}
    inp['sparse_xyz'] = jax.random.normal(ks[0], (B, N, 3), jnp.float32)
    inp['sparse_feats'] = jax.random.normal(ks[1], (B, N, C), jnp.float32)
    inp['nei_inds'] = jax.random.randint(ks[2], (B, M, K), 0, N)
    inp['sparse_xyz_norm'] = jax.random.normal(ks[3], (B, N, 3), jnp.float32)
    inp['dense_xyz'] = jax.random.normal(ks[4], (B, M, 3), jnp.float32)
    inp['dense_xyz_norm'] = jax.random.normal(ks[5], (B, M, 3), jnp.float32)
    inp['dense_feats'] = jax.random.normal(ks[6], (B, M, Cout), jnp.float32)
    # WeightNet params: PointLinearLayer stack 3 -> 16 -> 16 -> 16 (LayerNorm, LeakyReLU(0.1) except last)
    dims = [3, 16, 16, Wmid]
    for i in range(3):
        inp['wn_w%d' % i] = jax.random.normal(ks[7 + 2 * i], (dims[i], dims[i + 1]), jnp.float32) / np.sqrt(dims[i])
        inp['wn_b%d' % i] = jnp.zeros((dims[i + 1],), jnp.float32)
        inp['wn_g%d' % i] = jnp.ones((dims[i + 1],), jnp.float32)
        inp['wn_beta%d' % i] = jnp.zeros((dims[i + 1],), jnp.float32)
    # final linear: (in_channel * weightnet[1]) -> out_channel, LayerNorm + LeakyReLU(0.1)
    inp['lin_w'] = jax.random.normal(ks[20], (C * Wmid, Cout), jnp.float32) / np.sqrt(C * Wmid)
    inp['lin_b'] = jnp.zeros((Cout,), jnp.float32)
    inp['lin_g'] = jnp.ones((Cout,), jnp.float32)
    inp['lin_beta'] = jnp.zeros((Cout,), jnp.float32)
    return inp


def reference(sparse_xyz, sparse_feats, nei_inds, sparse_xyz_norm, dense_xyz, dense_xyz_norm, dense_feats,
              wn_w0, wn_b0, wn_g0, wn_beta0, wn_w1, wn_b1, wn_g1, wn_beta1, wn_w2, wn_b2, wn_g2, wn_beta2,
              lin_w, lin_b, lin_g, lin_beta):
    B, M, K = nei_inds.shape
    gathered_xyz = _index_points(sparse_xyz, nei_inds)            # B, M, K, 3
    localized_xyz = gathered_xyz - dense_xyz[:, :, None, :]       # B, M, K, 3
    weightNetInput = localized_xyz                                # USE_VI=False
    # WeightNet forward
    w = weightNetInput
    w = jax.nn.leaky_relu(_ln(w @ wn_w0 + wn_b0, wn_g0, wn_beta0), 0.1)
    w = jax.nn.leaky_relu(_ln(w @ wn_w1 + wn_b1, wn_g1, wn_beta1), 0.1)
    w = _ln(w @ wn_w2 + wn_b2, wn_g2, wn_beta2)                   # no act on last layer
    gathered_feat = _index_points(sparse_feats, nei_inds)         # B, M, K, C
    new_feat = jnp.einsum('bmkc,bmkw->bmcw', gathered_feat, w).reshape(B, M, -1)
    new_feat = jax.nn.leaky_relu(_ln(new_feat @ lin_w + lin_b, lin_g, lin_beta), 0.1)
    # dropout_rate=0, drop_path_rate=0 -> identity; shortcut from dense features
    new_feat = new_feat + dense_feats
    return new_feat, weightNetInput

if __name__ == "__main__":
    import jax
    _d = setup_inputs()
    print(jax.jit(kernel)(*tuple(_d.values())))

</pallas_src>

<mosaic_0001>
#map = affine_map<(d0, d1) -> (0, 0)>
#map1 = affine_map<(d0, d1) -> (0)>
module attributes {stable_mosaic.version = 14 : i64} {
  func.func @gather_kernel(%arg0: i32, %arg1: i32, %arg2: memref<12500x128xf32, #tpu.memory_space<hbm>>, %arg3: memref<800000xi32, #tpu.memory_space<hbm>>, %arg4: memref<800000x128xf32, #tpu.memory_space<hbm>>, %arg5: memref<1000xi32, #tpu.memory_space<vmem>>, %arg6: memref<1000x128xf32, #tpu.memory_space<vmem>>, %arg7: memref<!tpu.dma_semaphore, #tpu.memory_space<semaphore_mem>>) attributes {dimension_semantics = [#tpu.dimension_semantics<core_parallel>, #tpu.dimension_semantics<subcore_parallel>], iteration_bounds = array<i64: 2, 16>, scalar_prefetch = 0 : i64, scratch_operands = 3 : i64, tpu.core_type = #tpu.core_type<sc_vector_subcore>, window_params = [{transform_indices = #map}, {transform_indices = #map1}, {transform_indices = #map}]} {
    %mul3A = arith.constant 2 : i32
    %mul3A_0 = arith.muli %arg1, %mul3A : i32
    %add3A = arith.addi %mul3A_0, %arg0 : i32
    %mul3A_1 = arith.constant 25000 : i32
    %mul3A_2 = arith.muli %add3A, %mul3A_1 : i32
    %scan3A = arith.constant 0 : i32
    %scan3A_3 = arith.constant 0 : i32
    %scan3A_4 = arith.constant 25 : i32
    %scan3A_5 = arith.addi %scan3A_3, %scan3A_4 : i32
    %scan3A_6 = arith.constant 1 : i32
    scf.for %scan3A_8 = %scan3A_3 to %scan3A_5 step %scan3A_6  : i32 {
      %mul3A_9 = arith.constant 1000 : i32
      %mul3A_10 = arith.muli %scan3A_8, %mul3A_9 : i32
      %add3A_11 = arith.addi %mul3A_2, %mul3A_10 : i32
      "tpu.region"() ({
        %run_scoped3A = tpu.sem_alloc : memref<!tpu.dma_semaphore, #tpu.memory_space<semaphore_mem>>
        %dma_start3A_16 = tpu.memref_slice %arg3[%add3A_11] : memref<800000xi32, #tpu.memory_space<hbm>> -> memref<1000xi32, #tpu.memory_space<hbm>>
        %dma_start3A_17 = tpu.memref_slice %arg3[%add3A_11] : memref<800000xi32, #tpu.memory_space<hbm>> -> memref<1000xi32, #tpu.memory_space<hbm>>
        tpu.enqueue_dma source(%dma_start3A_17 : memref<1000xi32, #tpu.memory_space<hbm>>) target(%arg5 : memref<1000xi32, #tpu.memory_space<vmem>>) target_semaphore(%run_scoped3A : memref<!tpu.dma_semaphore, #tpu.memory_space<semaphore_mem>>)
        %dma_wait3A_18 = tpu.memref_slice %arg3[%add3A_11] : memref<800000xi32, #tpu.memory_space<hbm>> -> memref<1000xi32, #tpu.memory_space<hbm>>
        %dma_wait3A_19 = tpu.memref_slice %arg3[%add3A_11] : memref<800000xi32, #tpu.memory_space<hbm>> -> memref<1000xi32, #tpu.memory_space<hbm>>
        tpu.wait_dma2 semaphore(%run_scoped3A : memref<!tpu.dma_semaphore, #tpu.memory_space<semaphore_mem>>) src(%dma_wait3A_19 : memref<1000xi32, #tpu.memory_space<hbm>>) dst(%arg5 : memref<1000xi32, #tpu.memory_space<vmem>>)
        tpu.yield
      }) : () -> ()
      %dma_start3A = arith.constant 0 : i32
      %dma_start3A_12 = arith.constant 0 : i32
      %dma_start3A_13 = tpu.memref_slice %arg2[%dma_start3A, %dma_start3A_12] : memref<12500x128xf32, #tpu.memory_space<hbm>> -> memref<12500x128xf32, #tpu.memory_space<hbm>>
      tpu.enqueue_indirect_dma source(%dma_start3A_13 : memref<12500x128xf32, #tpu.memory_space<hbm>>) target(%arg6 : memref<1000x128xf32, #tpu.memory_space<vmem>>) offsets(%arg5 : memref<1000xi32, #tpu.memory_space<vmem>>) semaphore(%arg7 : memref<!tpu.dma_semaphore, #tpu.memory_space<semaphore_mem>>)
      %dma_wait3A = arith.constant 0 : i32
      %dma_wait3A_14 = arith.constant 0 : i32
      %dma_wait3A_15 = tpu.memref_slice %arg2[%dma_wait3A, %dma_wait3A_14] : memref<12500x128xf32, #tpu.memory_space<hbm>> -> memref<12500x128xf32, #tpu.memory_space<hbm>>
      tpu.wait_indirect_dma semaphore(%arg7 : memref<!tpu.dma_semaphore, #tpu.memory_space<semaphore_mem>>) src(%dma_wait3A_15 : memref<12500x128xf32, #tpu.memory_space<hbm>>) dst(%arg6 : memref<1000x128xf32, #tpu.memory_space<vmem>>)
      "tpu.region"() ({
        %run_scoped3A = tpu.sem_alloc : memref<!tpu.dma_semaphore, #tpu.memory_space<semaphore_mem>>
        %dma_start3A_16 = arith.constant 0 : i32
        %dma_start3A_17 = tpu.memref_slice %arg4[%add3A_11, %dma_start3A_16] : memref<800000x128xf32, #tpu.memory_space<hbm>> -> memref<1000x128xf32, #tpu.memory_space<hbm>>
        %dma_start3A_18 = arith.constant 0 : i32
        %dma_start3A_19 = tpu.memref_slice %arg4[%add3A_11, %dma_start3A_18] : memref<800000x128xf32, #tpu.memory_space<hbm>> -> memref<1000x128xf32, #tpu.memory_space<hbm>>
        tpu.enqueue_dma source(%arg6 : memref<1000x128xf32, #tpu.memory_space<vmem>>) target(%dma_start3A_19 : memref<1000x128xf32, #tpu.memory_space<hbm>>) target_semaphore(%run_scoped3A : memref<!tpu.dma_semaphore, #tpu.memory_space<semaphore_mem>>)
        %dma_wait3A_20 = arith.constant 0 : i32
        %dma_wait3A_21 = tpu.memref_slice %arg4[%add3A_11, %dma_wait3A_20] : memref<800000x128xf32, #tpu.memory_space<hbm>> -> memref<1000x128xf32, #tpu.memory_space<hbm>>
        %dma_wait3A_22 = arith.constant 0 : i32
        %dma_wait3A_23 = tpu.memref_slice %arg4[%add3A_11, %dma_wait3A_22] : memref<800000x128xf32, #tpu.memory_space<hbm>> -> memref<1000x128xf32, #tpu.memory_space<hbm>>
        tpu.wait_dma2 semaphore(%run_scoped3A : memref<!tpu.dma_semaphore, #tpu.memory_space<semaphore_mem>>) src(%arg6 : memref<1000x128xf32, #tpu.memory_space<vmem>>) dst(%dma_wait3A_23 : memref<1000x128xf32, #tpu.memory_space<hbm>>)
        tpu.yield
      }) : () -> ()
    }
    %scan3A_7 = arith.constant 25 : i32
    return
  }
}

module attributes {stable_mosaic.version = 14 : i64} {
  func.func @_tc_body(%arg0: i32, %arg1: memref<16x400x128xf32, #tpu.memory_space<vmem>>, %arg2: memref<400x3xf32, #tpu.memory_space<vmem>>, %arg3: memref<400x64xf32, #tpu.memory_space<vmem>>, %arg4: memref<3x16xf32, #tpu.memory_space<vmem>>, %arg5: memref<1x16xf32, #tpu.memory_space<vmem>>, %arg6: memref<1x16xf32, #tpu.memory_space<vmem>>, %arg7: memref<1x16xf32, #tpu.memory_space<vmem>>, %arg8: memref<16x16xf32, #tpu.memory_space<vmem>>, %arg9: memref<1x16xf32, #tpu.memory_space<vmem>>, %arg10: memref<1x16xf32, #tpu.memory_space<vmem>>, %arg11: memref<1x16xf32, #tpu.memory_space<vmem>>, %arg12: memref<16x16xf32, #tpu.memory_space<vmem>>, %arg13: memref<1x16xf32, #tpu.memory_space<vmem>>, %arg14: memref<1x16xf32, #tpu.memory_space<vmem>>, %arg15: memref<1x16xf32, #tpu.memory_space<vmem>>, %arg16: memref<16x1024xf32, #tpu.memory_space<vmem>>, %arg17: memref<1024x64xf32, #tpu.memory_space<vmem>>, %arg18: memref<1x64xf32, #tpu.memory_space<vmem>>, %arg19: memref<1x64xf32, #tpu.memory_space<vmem>>, %arg20: memref<1x64xf32, #tpu.memory_space<vmem>>, %arg21: memref<400x64xf32, #tpu.memory_space<vmem>>, %arg22: memref<16x400x3xf32, #tpu.memory_space<vmem>>) attributes {dimension_semantics = [#tpu.dimension_semantics<arbitrary>], iteration_bounds = array<i64: 125>, scalar_prefetch = 0 : i64, scratch_operands = 0 : i64, tpu.core_type = #tpu.core_type<tc>, window_params = [{transform_indices = @transform_0, window_bounds = array<i64: 16, 400, 128>}, {transform_indices = @transform_1, window_bounds = array<i64: 400, 3>}, {transform_indices = @transform_2, window_bounds = array<i64: 400, 64>}, {pipeline_mode = #tpu.pipeline_mode<synchronous>, transform_indices = @transform_3, window_bounds = array<i64: 3, 16>}, {pipeline_mode = #tpu.pipeline_mode<synchronous>, transform_indices = @transform_4, window_bounds = array<i64: 1, 16>}, {pipeline_mode = #tpu.pipeline_mode<synchronous>, transform_indices = @transform_5, window_bounds = array<i64: 1, 16>}, {pipeline_mode = #tpu.pipeline_mode<synchronous>, transform_indices = @transform_6, window_bounds = array<i64: 1, 16>}, {pipeline_mode = #tpu.pipeline_mode<synchronous>, transform_indices = @transform_7, window_bounds = array<i64: 16, 16>}, {pipeline_mode = #tpu.pipeline_mode<synchronous>, transform_indices = @transform_8, window_bounds = array<i64: 1, 16>}, {pipeline_mode = #tpu.pipeline_mode<synchronous>, transform_indices = @transform_9, window_bounds = array<i64: 1, 16>}, {pipeline_mode = #tpu.pipeline_mode<synchronous>, transform_indices = @transform_10, window_bounds = array<i64: 1, 16>}, {pipeline_mode = #tpu.pipeline_mode<synchronous>, transform_indices = @transform_11, window_bounds = array<i64: 16, 16>}, {pipeline_mode = #tpu.pipeline_mode<synchronous>, transform_indices = @transform_12, window_bounds = array<i64: 1, 16>}, {pipeline_mode = #tpu.pipeline_mode<synchronous>, transform_indices = @transform_13, window_bounds = array<i64: 1, 16>}, {pipeline_mode = #tpu.pipeline_mode<synchronous>, transform_indices = @transform_14, window_bounds = array<i64: 1, 16>}, {pipeline_mode = #tpu.pipeline_mode<synchronous>, transform_indices = @transform_15, window_bounds = array<i64: 16, 1024>}, {pipeline_mode = #tpu.pipeline_mode<synchronous>, transform_indices = @transform_16, window_bounds = array<i64: 1024, 64>}, {pipeline_mode = #tpu.pipeline_mode<synchronous>, transform_indices = @transform_17, window_bounds = array<i64: 1, 64>}, {pipeline_mode = #tpu.pipeline_mode<synchronous>, transform_indices = @transform_18, window_bounds = array<i64: 1, 64>}, {pipeline_mode = #tpu.pipeline_mode<synchronous>, transform_indices = @transform_19, window_bounds = array<i64: 1, 64>}, {transform_indices = @transform_20, window_bounds = array<i64: 400, 64>}, {transform_indices = @transform_21, window_bounds = array<i64: 16, 400, 3>}]} {
    %get3A = arith.constant 0 : index
    %get3A_0 = arith.constant 0 : index
    %get3A_1 = arith.constant 0 : index
    %get3A_2 = vector.load %arg1[%get3A, %get3A_0, %get3A_1] : memref<16x400x128xf32, #tpu.memory_space<vmem>>, vector<16x400x128xf32>
    %slice3A = vector.extract_strided_slice %get3A_2 {offsets = [0, 0, 0], sizes = [16, 400, 64], strides = [1, 1, 1]} : vector<16x400x128xf32> to vector<16x400x64xf32>
    %slice3A_3 = vector.extract_strided_slice %get3A_2 {offsets = [0, 0, 64], sizes = [16, 400, 3], strides = [1, 1, 1]} : vector<16x400x128xf32> to vector<16x400x3xf32>
    %get3A_4 = arith.constant 0 : index
    %get3A_5 = arith.constant 0 : index
    %get3A_6 = vector.load %arg2[%get3A_4, %get3A_5] : memref<400x3xf32, #tpu.memory_space<vmem>>, vector<400x3xf32>
    %broadcast_in_dim3A = vector.shape_cast %get3A_6 : vector<400x3xf32> to vector<1x400x3xf32>
    %sub3A = vector.broadcast %broadcast_in_dim3A : vector<1x400x3xf32> to vector<16x400x3xf32>
    %sub3A_7 = arith.subf %slice3A_3, %sub3A : vector<16x400x3xf32>
    %swap3A = arith.constant 0 : index
    %swap3A_8 = arith.constant 0 : index
    %swap3A_9 = arith.constant 0 : index
    %swap3A_10 = vector.load %arg22[%swap3A, %swap3A_8, %swap3A_9] : memref<16x400x3xf32, #tpu.memory_space<vmem>>, vector<16x400x3xf32>
    tpu.vector_store %arg22[%swap3A, %swap3A_8, %swap3A_9], %sub3A_7 {strides = array<i32>} : memref<16x400x3xf32, #tpu.memory_space<vmem>>, vector<16x400x3xf32>,
    %reshape3A = vector.shape_cast %sub3A_7 : vector<16x400x3xf32> to vector<6400x3xf32>
    %get3A_11 = arith.constant 0 : index
    %get3A_12 = arith.constant 0 : index
    %get3A_13 = vector.load %arg4[%get3A_11, %get3A_12] : memref<3x16xf32, #tpu.memory_space<vmem>>, vector<3x16xf32>
    %dot_general3A = arith.constant dense<0.000000e+00> : vector<6400x16xf32>
    %dot_general3A_14 = tpu.matmul %reshape3A, %get3A_13, %dot_general3A {dimension_numbers = #tpu.dot_dimension_numbers<[1], [0], [0], [1], [0, 0, 1, 1], [], []>, transpose_lhs_hint = false} : vector<6400x3xf32>, vector<3x16xf32>, vector<6400x16xf32> -> vector<6400x16xf32>
    %get3A_15 = arith.constant 0 : index
    %get3A_16 = arith.constant 0 : index
    %get3A_17 = vector.load %arg5[%get3A_15, %get3A_16] : memref<1x16xf32, #tpu.memory_space<vmem>>, vector<1x16xf32>
    %add3A = vector.broadcast %get3A_17 : vector<1x16xf32> to vector<6400x16xf32>
    %add3A_18 = arith.addf %dot_general3A_14, %add3A : vector<6400x16xf32>
    %get3A_19 = arith.constant 0 : index
    %get3A_20 = arith.constant 0 : index
    %get3A_21 = vector.load %arg6[%get3A_19, %get3A_20] : memref<1x16xf32, #tpu.memory_space<vmem>>, vector<1x16xf32>
    %get3A_22 = arith.constant 0 : index
    %get3A_23 = arith.constant 0 : index
    %get3A_24 = vector.load %arg7[%get3A_22, %get3A_23] : memref<1x16xf32, #tpu.memory_space<vmem>>, vector<1x16xf32>
    %broadcast_in_dim3A_25 = arith.constant 6.250000e-02 : f32
    %broadcast_in_dim3A_26 = vector.broadcast %broadcast_in_dim3A_25 : f32 to vector<16x16xf32>
    %dot_general3A_27 = arith.constant dense<0.000000e+00> : vector<6400x16xf32>
    %dot_general3A_28 = tpu.matmul %add3A_18, %broadcast_in_dim3A_26, %dot_general3A_27 {dimension_numbers = #tpu.dot_dimension_numbers<[1], [0], [0], [1], [0, 0, 1, 1], [], []>, transpose_lhs_hint = false} : vector<6400x16xf32>, vector<16x16xf32>, vector<6400x16xf32> -> vector<6400x16xf32>
    %mul3A = arith.mulf %add3A_18, %add3A_18 : vector<6400x16xf32>
    %dot_general3A_29 = arith.constant dense<0.000000e+00> : vector<6400x16xf32>
    %dot_general3A_30 = tpu.matmul %mul3A, %broadcast_in_dim3A_26, %dot_general3A_29 {dimension_numbers = #tpu.dot_dimension_numbers<[1], [0], [0], [1], [0, 0, 1, 1], [], []>, transpose_lhs_hint = false} : vector<6400x16xf32>, vector<16x16xf32>, vector<6400x16xf32> -> vector<6400x16xf32>
    %mul3A_31 = arith.mulf %dot_general3A_28, %dot_general3A_28 : vector<6400x16xf32>
    %sub3A_32 = arith.subf %dot_general3A_30, %mul3A_31 : vector<6400x16xf32>
    %sub3A_33 = arith.subf %add3A_18, %dot_general3A_28 : vector<6400x16xf32>
    %add3A_34 = arith.constant 9.99999974E-6 : f32
    %add3A_35 = vector.broadcast %add3A_34 : f32 to vector<6400x16xf32>
    %add3A_36 = arith.addf %sub3A_32, %add3A_35 : vector<6400x16xf32>
    %rsqrt3A = math.rsqrt %add3A_36 : vector<6400x16xf32>
    %mul3A_37 = arith.mulf %sub3A_33, %rsqrt3A : vector<6400x16xf32>
    %mul3A_38 = vector.broadcast %get3A_21 : vector<1x16xf32> to vector<6400x16xf32>
    %mul3A_39 = arith.mulf %mul3A_37, %mul3A_38 : vector<6400x16xf32>
    %add3A_40 = vector.broadcast %get3A_24 : vector<1x16xf32> to vector<6400x16xf32>
    %add3A_41 = arith.addf %mul3A_39, %add3A_40 : vector<6400x16xf32>
    %ge3A = arith.constant 0.000000e+00 : f32
    %ge3A_42 = vector.broadcast %ge3A : f32 to vector<6400x16xf32>
    %ge3A_43 = arith.cmpf oge, %add3A_41, %ge3A_42 : vector<6400x16xf32>
    %mul3A_44 = arith.constant 1.000000e-01 : f32
    %mul3A_45 = vector.broadcast %mul3A_44 : f32 to vector<6400x16xf32>
    %mul3A_46 = arith.mulf %mul3A_45, %add3A_41 : vector<6400x16xf32>
    %select_n3A = arith.select %ge3A_43, %add3A_41, %mul3A_46 : vector<6400x16xi1>, vector<6400x16xf32>
    %get3A_47 = arith.constant 0 : index
    %get3A_48 = arith.constant 0 : index
    %get3A_49 = vector.load %arg8[%get3A_47, %get3A_48] : memref<16x16xf32, #tpu.memory_space<vmem>>, vector<16x16xf32>
    %dot_general3A_50 = arith.constant dense<0.000000e+00> : vector<6400x16xf32>
    %dot_general3A_51 = tpu.matmul %select_n3A, %get3A_49, %dot_general3A_50 {dimension_numbers = #tpu.dot_dimension_numbers<[1], [0], [0], [1], [0, 0, 1, 1], [], []>, transpose_lhs_hint = false} : vector<6400x16xf32>, vector<16x16xf32>, vector<6400x16xf32> -> vector<6400x16xf32>
    %get3A_52 = arith.constant 0 : index
    %get3A_53 = arith.constant 0 : index
    %get3A_54 = vector.load %arg9[%get3A_52, %get3A_53] : memref<1x16xf32, #tpu.memory_space<vmem>>, vector<1x16xf32>
    %add3A_55 = vector.broadcast %get3A_54 : vector<1x16xf32> to vector<6400x16xf32>
    %add3A_56 = arith.addf %dot_general3A_51, %add3A_55 : vector<6400x16xf32>
    %get3A_57 = arith.constant 0 : index
    %get3A_58 = arith.constant 0 : index
    %get3A_59 = vector.load %arg10[%get3A_57, %get3A_58] : memref<1x16xf32, #tpu.memory_space<vmem>>, vector<1x16xf32>
    %get3A_60 = arith.constant 0 : index
    %get3A_61 = arith.constant 0 : index
    %get3A_62 = vector.load %arg11[%get3A_60, %get3A_61] : memref<1x16xf32, #tpu.memory_space<vmem>>, vector<1x16xf32>
    %broadcast_in_dim3A_63 = arith.constant 6.250000e-02 : f32
    %broadcast_in_dim3A_64 = vector.broadcast %broadcast_in_dim3A_63 : f32 to vector<16x16xf32>
    %dot_general3A_65 = arith.constant dense<0.000000e+00> : vector<6400x16xf32>
    %dot_general3A_66 = tpu.matmul %add3A_56, %broadcast_in_dim3A_64, %dot_general3A_65 {dimension_numbers = #tpu.dot_dimension_numbers<[1], [0], [0], [1], [0, 0, 1, 1], [], []>, transpose_lhs_hint = false} : vector<6400x16xf32>, vector<16x16xf32>, vector<6400x16xf32> -> vector<6400x16xf32>
    %mul3A_67 = arith.mulf %add3A_56, %add3A_56 : vector<6400x16xf32>
    %dot_general3A_68 = arith.constant dense<0.000000e+00> : vector<6400x16xf32>
    %dot_general3A_69 = tpu.matmul %mul3A_67, %broadcast_in_dim3A_64, %dot_general3A_68 {dimension_numbers = #tpu.dot_dimension_numbers<[1], [0], [0], [1], [0, 0, 1, 1], [], []>, transpose_lhs_hint = false} : vector<6400x16xf32>, vector<16x16xf32>, vector<6400x16xf32> -> vector<6400x16xf32>
    %mul3A_70 = arith.mulf %dot_general3A_66, %dot_general3A_66 : vector<6400x16xf32>
    %sub3A_71 = arith.subf %dot_general3A_69, %mul3A_70 : vector<6400x16xf32>
    %sub3A_72 = arith.subf %add3A_56, %dot_general3A_66 : vector<6400x16xf32>
    %add3A_73 = arith.constant 9.99999974E-6 : f32
    %add3A_74 = vector.broadcast %add3A_73 : f32 to vector<6400x16xf32>
    %add3A_75 = arith.addf %sub3A_71, %add3A_74 : vector<6400x16xf32>
    %rsqrt3A_76 = math.rsqrt %add3A_75 : vector<6400x16xf32>
    %mul3A_77 = arith.mulf %sub3A_72, %rsqrt3A_76 : vector<6400x16xf32>
    %mul3A_78 = vector.broadcast %get3A_59 : vector<1x16xf32> to vector<6400x16xf32>
    %mul3A_79 = arith.mulf %mul3A_77, %mul3A_78 : vector<6400x16xf32>
    %add3A_80 = vector.broadcast %get3A_62 : vector<1x16xf32> to vector<6400x16xf32>
    %add3A_81 = arith.addf %mul3A_79, %add3A_80 : vector<6400x16xf32>
    %ge3A_82 = arith.constant 0.000000e+00 : f32
    %ge3A_83 = vector.broadcast %ge3A_82 : f32 to vector<6400x16xf32>
    %ge3A_84 = arith.cmpf oge, %add3A_81, %ge3A_83 : vector<6400x16xf32>
    %mul3A_85 = arith.constant 1.000000e-01 : f32
    %mul3A_86 = vector.broadcast %mul3A_85 : f32 to vector<6400x16xf32>
    %mul3A_87 = arith.mulf %mul3A_86, %add3A_81 : vector<6400x16xf32>
    %select_n3A_88 = arith.select %ge3A_84, %add3A_81, %mul3A_87 : vector<6400x16xi1>, vector<6400x16xf32>
    %get3A_89 = arith.constant 0 : index
    %get3A_90 = arith.constant 0 : index
    %get3A_91 = vector.load %arg12[%get3A_89, %get3A_90] : memref<16x16xf32, #tpu.memory_space<vmem>>, vector<16x16xf32>
    %dot_general3A_92 = arith.constant dense<0.000000e+00> : vector<6400x16xf32>
    %dot_general3A_93 = tpu.matmul %select_n3A_88, %get3A_91, %dot_general3A_92 {dimension_numbers = #tpu.dot_dimension_numbers<[1], [0], [0], [1], [0, 0, 1, 1], [], []>, transpose_lhs_hint = false} : vector<6400x16xf32>, vector<16x16xf32>, vector<6400x16xf32> -> vector<6400x16xf32>
    %get3A_94 = arith.constant 0 : index
    %get3A_95 = arith.constant 0 : index
    %get3A_96 = vector.load %arg13[%get3A_94, %get3A_95] : memref<1x16xf32, #tpu.memory_space<vmem>>, vector<1x16xf32>
    %add3A_97 = vector.broadcast %get3A_96 : vector<1x16xf32> to vector<6400x16xf32>
    %add3A_98 = arith.addf %dot_general3A_93, %add3A_97 : vector<6400x16xf32>
    %get3A_99 = arith.constant 0 : index
    %get3A_100 = arith.constant 0 : index
    %get3A_101 = vector.load %arg14[%get3A_99, %get3A_100] : memref<1x16xf32, #tpu.memory_space<vmem>>, vector<1x16xf32>
    %get3A_102 = arith.constant 0 : index
    %get3A_103 = arith.constant 0 : index
    %get3A_104 = vector.load %arg15[%get3A_102, %get3A_103] : memref<1x16xf32, #tpu.memory_space<vmem>>, vector<1x16xf32>
    %broadcast_in_dim3A_105 = arith.constant 6.250000e-02 : f32
    %broadcast_in_dim3A_106 = vector.broadcast %broadcast_in_dim3A_105 : f32 to vector<16x16xf32>
    %dot_general3A_107 = arith.constant dense<0.000000e+00> : vector<6400x16xf32>
    %dot_general3A_108 = tpu.matmul %add3A_98, %broadcast_in_dim3A_106, %dot_general3A_107 {dimension_numbers = #tpu.dot_dimension_numbers<[1], [0], [0], [1], [0, 0, 1, 1], [], []>, transpose_lhs_hint = false} : vector<6400x16xf32>, vector<16x16xf32>, vector<6400x16xf32> -> vector<6400x16xf32>
    %mul3A_109 = arith.mulf %add3A_98, %add3A_98 : vector<6400x16xf32>
    %dot_general3A_110 = arith.constant dense<0.000000e+00> : vector<6400x16xf32>
    %dot_general3A_111 = tpu.matmul %mul3A_109, %broadcast_in_dim3A_106, %dot_general3A_110 {dimension_numbers = #tpu.dot_dimension_numbers<[1], [0], [0], [1], [0, 0, 1, 1], [], []>, transpose_lhs_hint = false} : vector<6400x16xf32>, vector<16x16xf32>, vector<6400x16xf32> -> vector<6400x16xf32>
    %mul3A_112 = arith.mulf %dot_general3A_108, %dot_general3A_108 : vector<6400x16xf32>
    %sub3A_113 = arith.subf %dot_general3A_111, %mul3A_112 : vector<6400x16xf32>
    %sub3A_114 = arith.subf %add3A_98, %dot_general3A_108 : vector<6400x16xf32>
    %add3A_115 = arith.constant 9.99999974E-6 : f32
    %add3A_116 = vector.broadcast %add3A_115 : f32 to vector<6400x16xf32>
    %add3A_117 = arith.addf %sub3A_113, %add3A_116 : vector<6400x16xf32>
    %rsqrt3A_118 = math.rsqrt %add3A_117 : vector<6400x16xf32>
    %mul3A_119 = arith.mulf %sub3A_114, %rsqrt3A_118 : vector<6400x16xf32>
    %mul3A_120 = vector.broadcast %get3A_101 : vector<1x16xf32> to vector<6400x16xf32>
    %mul3A_121 = arith.mulf %mul3A_119, %mul3A_120 : vector<6400x16xf32>
    %add3A_122 = vector.broadcast %get3A_104 : vector<1x16xf32> to vector<6400x16xf32>
    %add3A_123 = arith.addf %mul3A_121, %add3A_122 : vector<6400x16xf32>
    %reshape3A_124 = vector.shape_cast %add3A_123 : vector<6400x16xf32> to vector<16x400x16xf32>
    %get3A_125 = arith.constant 0 : index
    %get3A_126 = arith.constant 0 : index
    %get3A_127 = vector.load %arg16[%get3A_125, %get3A_126] : memref<16x1024xf32, #tpu.memory_space<vmem>>, vector<16x1024xf32>
    %broadcast_in_dim3A_128 = arith.constant 0.000000e+00 : f32
    %broadcast_in_dim3A_129 = vector.broadcast %broadcast_in_dim3A_128 : f32 to vector<400x1024xf32>
    %slice3A_130 = vector.extract_strided_slice %slice3A {offsets = [0, 0, 0], sizes = [1, 400, 64], strides = [1, 1, 1]} : vector<16x400x64xf32> to vector<1x400x64xf32>
    %squeeze3A = vector.shape_cast %slice3A_130 : vector<1x400x64xf32> to vector<400x64xf32>
    %concatenate3A = tpu.concatenate %squeeze3A, %squeeze3A, %squeeze3A, %squeeze3A, %squeeze3A, %squeeze3A, %squeeze3A, %squeeze3A, %squeeze3A, %squeeze3A, %squeeze3A, %squeeze3A, %squeeze3A, %squeeze3A, %squeeze3A, %squeeze3A in 1 : vector<400x64xf32>, vector<400x64xf32>, vector<400x64xf32>, vector<400x64xf32>, vector<400x64xf32>, vector<400x64xf32>, vector<400x64xf32>, vector<400x64xf32>, vector<400x64xf32>, vector<400x64xf32>, vector<400x64xf32>, vector<400x64xf32>, vector<400x64xf32>, vector<400x64xf32>, vector<400x64xf32>, vector<400x64xf32> -> vector<400x1024xf32>
    %slice3A_131 = vector.extract_strided_slice %reshape3A_124 {offsets = [0, 0, 0], sizes = [1, 400, 16], strides = [1, 1, 1]} : vector<16x400x16xf32> to vector<1x400x16xf32>
    %squeeze3A_132 = vector.shape_cast %slice3A_131 : vector<1x400x16xf32> to vector<400x16xf32>
    %dot_general3A_133 = arith.constant dense<0.000000e+00> : vector<400x1024xf32>
    %dot_general3A_134 = tpu.matmul %squeeze3A_132, %get3A_127, %dot_general3A_133 {dimension_numbers = #tpu.dot_dimension_numbers<[1], [0], [0], [1], [0, 0, 1, 1], [], []>, transpose_lhs_hint = false} : vector<400x16xf32>, vector<16x1024xf32>, vector<400x1024xf32> -> vector<400x1024xf32>
    %mul3A_135 = arith.mulf %concatenate3A, %dot_general3A_134 : vector<400x1024xf32>
    %add3A_136 = arith.addf %broadcast_in_dim3A_129, %mul3A_135 : vector<400x1024xf32>
    %slice3A_137 = vector.extract_strided_slice %slice3A {offsets = [1, 0, 0], sizes = [1, 400, 64], strides = [1, 1, 1]} : vector<16x400x64xf32> to vector<1x400x64xf32>
    %squeeze3A_138 = vector.shape_cast %slice3A_137 : vector<1x400x64xf32> to vector<400x64xf32>
    %concatenate3A_139 = tpu.concatenate %squeeze3A_138, %squeeze3A_138, %squeeze3A_138, %squeeze3A_138, %squeeze3A_138, %squeeze3A_138, %squeeze3A_138, %squeeze3A_138, %squeeze3A_138, %squeeze3A_138, %squeeze3A_138, %squeeze3A_138, %squeeze3A_138, %squeeze3A_138, %squeeze3A_138, %squeeze3A_138 in 1 : vector<400x64xf32>, vector<400x64xf32>, vector<400x64xf32>, vector<400x64xf32>, vector<400x64xf32>, vector<400x64xf32>, vector<400x64xf32>, vector<400x64xf32>, vector<400x64xf32>, vector<400x64xf32>, vector<400x64xf32>, vector<400x64xf32>, vector<400x64xf32>, vector<400x64xf32>, vector<400x64xf32>, vector<400x64xf32> -> vector<400x1024xf32>
    %slice3A_140 = vector.extract_strided_slice %reshape3A_124 {offsets = [1, 0, 0], sizes = [1, 400, 16], strides = [1, 1, 1]} : vector<16x400x16xf32> to vector<1x400x16xf32>
    %squeeze3A_141 = vector.shape_cast %slice3A_140 : vector<1x400x16xf32> to vector<400x16xf32>
    %dot_general3A_142 = arith.constant dense<0.000000e+00> : vector<400x1024xf32>
    %dot_general3A_143 = tpu.matmul %squeeze3A_141, %get3A_127, %dot_general3A_142 {dimension_numbers = #tpu.dot_dimension_numbers<[1], [0], [0], [1], [0, 0, 1, 1], [], []>, transpose_lhs_hint = false} : vector<400x16xf32>, vector<16x1024xf32>, vector<400x1024xf32> -> vector<400x1024xf32>
    %mul3A_144 = arith.mulf %concatenate3A_139, %dot_general3A_143 : vector<400x1024xf32>
    %add3A_145 = arith.addf %add3A_136, %mul3A_144 : vector<400x1024xf32>
    %slice3A_146 = vector.extract_strided_slice %slice3A {offsets = [2, 0, 0], sizes = [1, 400, 64], strides = [1, 1, 1]} : vector<16x400x64xf32> to vector<1x400x64xf32>
    %squeeze3A_147 = vector.shape_cast %slice3A_146 : vector<1x400x64xf32> to vector<400x64xf32>
    %concatenate3A_148 = tpu.concatenate %squeeze3A_147, %squeeze3A_147, %squeeze3A_147, %squeeze3A_147, %squeeze3A_147, %squeeze3A_147, %squeeze3A_147, %squeeze3A_147, %squeeze3A_147, %squeeze3A_147, %squeeze3A_147, %squeeze3A_147, %squeeze3A_147, %squeeze3A_147, %squeeze3A_147, %squeeze3A_147 in 1 : vector<400x64xf32>, vector<400x64xf32>, vector<400x64xf32>, vector<400x64xf32>, vector<400x64xf32>, vector<400x64xf32>, vector<400x64xf32>, vector<400x64xf32>, vector<400x64xf32>, vector<400x64xf32>, vector<400x64xf32>, vector<400x64xf32>, vector<400x64xf32>, vector<400x64xf32>, vector<400x64xf32>, vector<400x64xf32> -> vector<400x1024xf32>
    %slice3A_149 = vector.extract_strided_slice %reshape3A_124 {offsets = [2, 0, 0], sizes = [1, 400, 16], strides = [1, 1, 1]} : vector<16x400x16xf32> to vector<1x400x16xf32>
    %squeeze3A_150 = vector.shape_cast %slice3A_149 : vector<1x400x16xf32> to vector<400x16xf32>
    %dot_general3A_151 = arith.constant dense<0.000000e+00> : vector<400x1024xf32>
    %dot_general3A_152 = tpu.matmul %squeeze3A_150, %get3A_127, %dot_general3A_151 {dimension_numbers = #tpu.dot_dimension_numbers<[1], [0], [0], [1], [0, 0, 1, 1], [], []>, transpose_lhs_hint = false} : vector<400x16xf32>, vector<16x1024xf32>, vector<400x1024xf32> -> vector<400x1024xf32>
    %mul3A_153 = arith.mulf %concatenate3A_148, %dot_general3A_152 : vector<400x1024xf32>
    %add3A_154 = arith.addf %add3A_145, %mul3A_153 : vector<400x1024xf32>
    %slice3A_155 = vector.extract_strided_slice %slice3A {offsets = [3, 0, 0], sizes = [1, 400, 64], strides = [1, 1, 1]} : vector<16x400x64xf32> to vector<1x400x64xf32>
    %squeeze3A_156 = vector.shape_cast %slice3A_155 : vector<1x400x64xf32> to vector<400x64xf32>
    %concatenate3A_157 = tpu.concatenate %squeeze3A_156, %squeeze3A_156, %squeeze3A_156, %squeeze3A_156, %squeeze3A_156, %squeeze3A_156, %squeeze3A_156, %squeeze3A_156, %squeeze3A_156, %squeeze3A_156, %squeeze3A_156, %squeeze3A_156, %squeeze3A_156, %squeeze3A_156, %squeeze3A_156, %squeeze3A_156 in 1 : vector<400x64xf32>, vector<400x64xf32>, vector<400x64xf32>, vector<400x64xf32>, vector<400x64xf32>, vector<400x64xf32>, vector<400x64xf32>, vector<400x64xf32>, vector<400x64xf32>, vector<400x64xf32>, vector<400x64xf32>, vector<400x64xf32>, vector<400x64xf32>, vector<400x64xf32>, vector<400x64xf32>, vector<400x64xf32> -> vector<400x1024xf32>
    %slice3A_158 = vector.extract_strided_slice %reshape3A_124 {offsets = [3, 0, 0], sizes = [1, 400, 16], strides = [1, 1, 1]} : vector<16x400x16xf32> to vector<1x400x16xf32>
    %squeeze3A_159 = vector.shape_cast %slice3A_158 : vector<1x400x16xf32> to vector<400x16xf32>
    %dot_general3A_160 = arith.constant dense<0.000000e+00> : vector<400x1024xf32>
    %dot_general3A_161 = tpu.matmul %squeeze3A_159, %get3A_127, %dot_general3A_160 {dimension_numbers = #tpu.dot_dimension_numbers<[1], [0], [0], [1], [0, 0, 1, 1], [], []>, transpose_lhs_hint = false} : vector<400x16xf32>, vector<16x1024xf32>, vector<400x1024xf32> -> vector<400x1024xf32>
    %mul3A_162 = arith.mulf %concatenate3A_157, %dot_general3A_161 : vector<400x1024xf32>
    %add3A_163 = arith.addf %add3A_154, %mul3A_162 : vector<400x1024xf32>
    %slice3A_164 = vector.extract_strided_slice %slice3A {offsets = [4, 0, 0], sizes = [1, 400, 64], strides = [1, 1, 1]} : vector<16x400x64xf32> to vector<1x400x64xf32>
    %squeeze3A_165 = vector.shape_cast %slice3A_164 : vector<1x400x64xf32> to vector<400x64xf32>
    %concatenate3A_166 = tpu.concatenate %squeeze3A_165, %squeeze3A_165, %squeeze3A_165, %squeeze3A_165, %squeeze3A_165, %squeeze3A_165, %squeeze3A_165, %squeeze3A_165, %squeeze3A_165, %squeeze3A_165, %squeeze3A_165, %squeeze3A_165, %squeeze3A_165, %squeeze3A_165, %squeeze3A_165, %squeeze3A_165 in 1 : vector<400x64xf32>, vector<400x64xf32>, vector<400x64xf32>, vector<400x64xf32>, vector<400x64xf32>, vector<400x64xf32>, vector<400x64xf32>, vector<400x64xf32>, vector<400x64xf32>, vector<400x64xf32>, vector<400x64xf32>, vector<400x64xf32>, vector<400x64xf32>, vector<400x64xf32>, vector<400x64xf32>, vector<400x64xf32> -> vector<400x1024xf32>
    %slice3A_167 = vector.extract_strided_slice %reshape3A_124 {offsets = [4, 0, 0], sizes = [1, 400, 16], strides = [1, 1, 1]} : vector<16x400x16xf32> to vector<1x400x16xf32>
    %squeeze3A_168 = vector.shape_cast %slice3A_167 : vector<1x400x16xf32> to vector<400x16xf32>
    %dot_general3A_169 = arith.constant dense<0.000000e+00> : vector<400x1024xf32>
    %dot_general3A_170 = tpu.matmul %squeeze3A_168, %get3A_127, %dot_general3A_169 {dimension_numbers = #tpu.dot_dimension_numbers<[1], [0], [0], [1], [0, 0, 1, 1], [], []>, transpose_lhs_hint = false} : vector<400x16xf32>, vector<16x1024xf32>, vector<400x1024xf32> -> vector<400x1024xf32>
    %mul3A_171 = arith.mulf %concatenate3A_166, %dot_general3A_170 : vector<400x1024xf32>
    %add3A_172 = arith.addf %add3A_163, %mul3A_171 : vector<400x1024xf32>
    %slice3A_173 = vector.extract_strided_slice %slice3A {offsets = [5, 0, 0], sizes = [1, 400, 64], strides = [1, 1, 1]} : vector<16x400x64xf32> to vector<1x400x64xf32>
    %squeeze3A_174 = vector.shape_cast %slice3A_173 : vector<1x400x64xf32> to vector<400x64xf32>
    %concatenate3A_175 = tpu.concatenate %squeeze3A_174, %squeeze3A_174, %squeeze3A_174, %squeeze3A_174, %squeeze3A_174, %squeeze3A_174, %squeeze3A_174, %squeeze3A_174, %squeeze3A_174, %squeeze3A_174, %squeeze3A_174, %squeeze3A_174, %squeeze3A_174, %squeeze3A_174, %squeeze3A_174, %squeeze3A_174 in 1 : vector<400x64xf32>, vector<400x64xf32>, vector<400x64xf32>, vector<400x64xf32>, vector<400x64xf32>, vector<400x64xf32>, vector<400x64xf32>, vector<400x64xf32>, vector<400x64xf32>, vector<400x64xf32>, vector<400x64xf32>, vector<400x64xf32>, vector<400x64xf32>, vector<400x64xf32>, vector<400x64xf32>, vector<400x64xf32> -> vector<400x1024xf32>
    %slice3A_176 = vector.extract_strided_slice %reshape3A_124 {offsets = [5, 0, 0], sizes = [1, 400, 16], strides = [1, 1, 1]} : vector<16x400x16xf32> to vector<1x400x16xf32>
    %squeeze3A_177 = vector.shape_cast %slice3A_176 : vector<1x400x16xf32> to vector<400x16xf32>
    %dot_general3A_178 = arith.constant dense<0.000000e+00> : vector<400x1024xf32>
    %dot_general3A_179 = tpu.matmul %squeeze3A_177, %get3A_127, %dot_general3A_178 {dimension_numbers = #tpu.dot_dimension_numbers<[1], [0], [0], [1], [0, 0, 1, 1], [], []>, transpose_lhs_hint = false} : vector<400x16xf32>, vector<16x1024xf32>, vector<400x1024xf32> -> vector<400x1024xf32>
    %mul3A_180 = arith.mulf %concatenate3A_175, %dot_general3A_179 : vector<400x1024xf32>
    %add3A_181 = arith.addf %add3A_172, %mul3A_180 : vector<400x1024xf32>
    %slice3A_182 = vector.extract_strided_slice %slice3A {offsets = [6, 0, 0], sizes = [1, 400, 64], strides = [1, 1, 1]} : vector<16x400x64xf32> to vector<1x400x64xf32>
    %squeeze3A_183 = vector.shape_cast %slice3A_182 : vector<1x400x64xf32> to vector<400x64xf32>
    %concatenate3A_184 = tpu.concatenate %squeeze3A_183, %squeeze3A_183, %squeeze3A_183, %squeeze3A_183, %squeeze3A_183, %squeeze3A_183, %squeeze3A_183, %squeeze3A_183, %squeeze3A_183, %squeeze3A_183, %squeeze3A_183, %squeeze3A_183, %squeeze3A_183, %squeeze3A_183, %squeeze3A_183, %squeeze3A_183 in 1 : vector<400x64xf32>, vector<400x64xf32>, vector<400x64xf32>, vector<400x64xf32>, vector<400x64xf32>, vector<400x64xf32>, vector<400x64xf32>, vector<400x64xf32>, vector<400x64xf32>, vector<400x64xf32>, vector<400x64xf32>, vector<400x64xf32>, vector<400x64xf32>, vector<400x64xf32>, vector<400x64xf32>, vector<400x64xf32> -> vector<400x1024xf32>
    %slice3A_185 = vector.extract_strided_slice %reshape3A_124 {offsets = [6, 0, 0], sizes = [1, 400, 16], strides = [1, 1, 1]} : vector<16x400x16xf32> to vector<1x400x16xf32>
    %squeeze3A_186 = vector.shape_cast %slice3A_185 : vector<1x400x16xf32> to vector<400x16xf32>
    %dot_general3A_187 = arith.constant dense<0.000000e+00> : vector<400x1024xf32>
    %dot_general3A_188 = tpu.matmul %squeeze3A_186, %get3A_127, %dot_general3A_187 {dimension_numbers = #tpu.dot_dimension_numbers<[1], [0], [0], [1], [0, 0, 1, 1], [], []>, transpose_lhs_hint = false} : vector<400x16xf32>, vector<16x1024xf32>, vector<400x1024xf32> -> vector<400x1024xf32>
    %mul3A_189 = arith.mulf %concatenate3A_184, %dot_general3A_188 : vector<400x1024xf32>
    %add3A_190 = arith.addf %add3A_181, %mul3A_189 : vector<400x1024xf32>
    %slice3A_191 = vector.extract_strided_slice %slice3A {offsets = [7, 0, 0], sizes = [1, 400, 64], strides = [1, 1, 1]} : vector<16x400x64xf32> to vector<1x400x64xf32>
    %squeeze3A_192 = vector.shape_cast %slice3A_191 : vector<1x400x64xf32> to vector<400x64xf32>
    %concatenate3A_193 = tpu.concatenate %squeeze3A_192, %squeeze3A_192, %squeeze3A_192, %squeeze3A_192, %squeeze3A_192, %squeeze3A_192, %squeeze3A_192, %squeeze3A_192, %squeeze3A_192, %squeeze3A_192, %squeeze3A_192, %squeeze3A_192, %squeeze3A_192, %squeeze3A_192, %squeeze3A_192, %squeeze3A_192 in 1 : vector<400x64xf32>, vector<400x64xf32>, vector<400x64xf32>, vector<400x64xf32>, vector<400x64xf32>, vector<400x64xf32>, vector<400x64xf32>, vector<400x64xf32>, vector<400x64xf32>, vector<400x64xf32>, vector<400x64xf32>, vector<400x64xf32>, vector<400x64xf32>, vector<400x64xf32>, vector<400x64xf32>, vector<400x64xf32> -> vector<400x1024xf32>
    %slice3A_194 = vector.extract_strided_slice %reshape3A_124 {offsets = [7, 0, 0], sizes = [1, 400, 16], strides = [1, 1, 1]} : vector<16x400x16xf32> to vector<1x400x16xf32>
    %squeeze3A_195 = vector.shape_cast %slice3A_194 : vector<1x400x16xf32> to vector<400x16xf32>
    %dot_general3A_196 = arith.constant dense<0.000000e+00> : vector<400x1024xf32>
    %dot_general3A_197 = tpu.matmul %squeeze3A_195, %get3A_127, %dot_general3A_196 {dimension_numbers = #tpu.dot_dimension_numbers<[1], [0], [0], [1], [0, 0, 1, 1], [], []>, transpose_lhs_hint = false} : vector<400x16xf32>, vector<16x1024xf32>, vector<400x1024xf32> -> vector<400x1024xf32>
    %mul3A_198 = arith.mulf %concatenate3A_193, %dot_general3A_197 : vector<400x1024xf32>
    %add3A_199 = arith.addf %add3A_190, %mul3A_198 : vector<400x1024xf32>
    %slice3A_200 = vector.extract_strided_slice %slice3A {offsets = [8, 0, 0], sizes = [1, 400, 64], strides = [1, 1, 1]} : vector<16x400x64xf32> to vector<1x400x64xf32>
    %squeeze3A_201 = vector.shape_cast %slice3A_200 : vector<1x400x64xf32> to vector<400x64xf32>
    %concatenate3A_202 = tpu.concatenate %squeeze3A_201, %squeeze3A_201, %squeeze3A_201, %squeeze3A_201, %squeeze3A_201, %squeeze3A_201, %squeeze3A_201, %squeeze3A_201, %squeeze3A_201, %squeeze3A_201, %squeeze3A_201, %squeeze3A_201, %squeeze3A_201, %squeeze3A_201, %squeeze3A_201, %squeeze3A_201 in 1 : vector<400x64xf32>, vector<400x64xf32>, vector<400x64xf32>, vector<400x64xf32>, vector<400x64xf32>, vector<400x64xf32>, vector<400x64xf32>, vector<400x64xf32>, vector<400x64xf32>, vector<400x64xf32>, vector<400x64xf32>, vector<400x64xf32>, vector<400x64xf32>, vector<400x64xf32>, vector<400x64xf32>, vector<400x64xf32> -> vector<400x1024xf32>
    %slice3A_203 = vector.extract_strided_slice %reshape3A_124 {offsets = [8, 0, 0], sizes = [1, 400, 16], strides = [1, 1, 1]} : vector<16x400x16xf32> to vector<1x400x16xf32>
    %squeeze3A_204 = vector.shape_cast %slice3A_203 : vector<1x400x16xf32> to vector<400x16xf32>
    %dot_general3A_205 = arith.constant dense<0.000000e+00> : vector<400x1024xf32>
    %dot_general3A_206 = tpu.matmul %squeeze3A_204, %get3A_127, %dot_general3A_205 {dimension_numbers = #tpu.dot_dimension_numbers<[1], [0], [0], [1], [0, 0, 1, 1], [], []>, transpose_lhs_hint = false} : vector<400x16xf32>, vector<16x1024xf32>, vector<400x1024xf32> -> vector<400x1024xf32>
    %mul3A_207 = arith.mulf %concatenate3A_202, %dot_general3A_206 : vector<400x1024xf32>
    %add3A_208 = arith.addf %add3A_199, %mul3A_207 : vector<400x1024xf32>
    %slice3A_209 = vector.extract_strided_slice %slice3A {offsets = [9, 0, 0], sizes = [1, 400, 64], strides = [1, 1, 1]} : vector<16x400x64xf32> to vector<1x400x64xf32>
    %squeeze3A_210 = vector.shape_cast %slice3A_209 : vector<1x400x64xf32> to vector<400x64xf32>
    %concatenate3A_211 = tpu.concatenate %squeeze3A_210, %squeeze3A_210, %squeeze3A_210, %squeeze3A_210, %squeeze3A_210, %squeeze3A_210, %squeeze3A_210, %squeeze3A_210, %squeeze3A_210, %squeeze3A_210, %squeeze3A_210, %squeeze3A_210, %squeeze3A_210, %squeeze3A_210, %squeeze3A_210, %squeeze3A_210 in 1 : vector<400x64xf32>, vector<400x64xf32>, vector<400x64xf32>, vector<400x64xf32>, vector<400x64xf32>, vector<400x64xf32>, vector<400x64xf32>, vector<400x64xf32>, vector<400x64xf32>, vector<400x64xf32>, vector<400x64xf32>, vector<400x64xf32>, vector<400x64xf32>, vector<400x64xf32>, vector<400x64xf32>, vector<400x64xf32> -> vector<400x1024xf32>
    %slice3A_212 = vector.extract_strided_slice %reshape3A_124 {offsets = [9, 0, 0], sizes = [1, 400, 16], strides = [1, 1, 1]} : vector<16x400x16xf32> to vector<1x400x16xf32>
    %squeeze3A_213 = vector.shape_cast %slice3A_212 : vector<1x400x16xf32> to vector<400x16xf32>
    %dot_general3A_214 = arith.constant dense<0.000000e+00> : vector<400x1024xf32>
    %dot_general3A_215 = tpu.matmul %squeeze3A_213, %get3A_127, %dot_general3A_214 {dimension_numbers = #tpu.dot_dimension_numbers<[1], [0], [0], [1], [0, 0, 1, 1], [], []>, transpose_lhs_hint = false} : vector<400x16xf32>, vector<16x1024xf32>, vector<400x1024xf32> -> vector<400x1024xf32>
    %mul3A_216 = arith.mulf %concatenate3A_211, %dot_general3A_215 : vector<400x1024xf32>
    %add3A_217 = arith.addf %add3A_208, %mul3A_216 : vector<400x1024xf32>
    %slice3A_218 = vector.extract_strided_slice %slice3A {offsets = [10, 0, 0], sizes = [1, 400, 64], strides = [1, 1, 1]} : vector<16x400x64xf32> to vector<1x400x64xf32>
    %squeeze3A_219 = vector.shape_cast %slice3A_218 : vector<1x400x64xf32> to vector<400x64xf32>
    %concatenate3A_220 = tpu.concatenate %squeeze3A_219, %squeeze3A_219, %squeeze3A_219, %squeeze3A_219, %squeeze3A_219, %squeeze3A_219, %squeeze3A_219, %squeeze3A_219, %squeeze3A_219, %squeeze3A_219, %squeeze3A_219, %squeeze3A_219, %squeeze3A_219, %squeeze3A_219, %squeeze3A_219, %squeeze3A_219 in 1 : vector<400x64xf32>, vector<400x64xf32>, vector<400x64xf32>, vector<400x64xf32>, vector<400x64xf32>, vector<400x64xf32>, vector<400x64xf32>, vector<400x64xf32>, vector<400x64xf32>, vector<400x64xf32>, vector<400x64xf32>, vector<400x64xf32>, vector<400x64xf32>, vector<400x64xf32>, vector<400x64xf32>, vector<400x64xf32> -> vector<400x1024xf32>
    %slice3A_221 = vector.extract_strided_slice %reshape3A_124 {offsets = [10, 0, 0], sizes = [1, 400, 16], strides = [1, 1, 1]} : vector<16x400x16xf32> to vector<1x400x16xf32>
    %squeeze3A_222 = vector.shape_cast %slice3A_221 : vector<1x400x16xf32> to vector<400x16xf32>
    %dot_general3A_223 = arith.constant dense<0.000000e+00> : vector<400x1024xf32>
    %dot_general3A_224 = tpu.matmul %squeeze3A_222, %get3A_127, %dot_general3A_223 {dimension_numbers = #tpu.dot_dimension_numbers<[1], [0], [0], [1], [0, 0, 1, 1], [], []>, transpose_lhs_hint = false} : vector<400x16xf32>, vector<16x1024xf32>, vector<400x1024xf32> -> vector<400x1024xf32>
    %mul3A_225 = arith.mulf %concatenate3A_220, %dot_general3A_224 : vector<400x1024xf32>
    %add3A_226 = arith.addf %add3A_217, %mul3A_225 : vector<400x1024xf32>
    %slice3A_227 = vector.extract_strided_slice %slice3A {offsets = [11, 0, 0], sizes = [1, 400, 64], strides = [1, 1, 1]} : vector<16x400x64xf32> to vector<1x400x64xf32>
    %squeeze3A_228 = vector.shape_cast %slice3A_227 : vector<1x400x64xf32> to vector<400x64xf32>
    %concatenate3A_229 = tpu.concatenate %squeeze3A_228, %squeeze3A_228, %squeeze3A_228, %squeeze3A_228, %squeeze3A_228, %squeeze3A_228, %squeeze3A_228, %squeeze3A_228, %squeeze3A_228, %squeeze3A_228, %squeeze3A_228, %squeeze3A_228, %squeeze3A_228, %squeeze3A_228, %squeeze3A_228, %squeeze3A_228 in 1 : vector<400x64xf32>, vector<400x64xf32>, vector<400x64xf32>, vector<400x64xf32>, vector<400x64xf32>, vector<400x64xf32>, vector<400x64xf32>, vector<400x64xf32>, vector<400x64xf32>, vector<400x64xf32>, vector<400x64xf32>, vector<400x64xf32>, vector<400x64xf32>, vector<400x64xf32>, vector<400x64xf32>, vector<400x64xf32> -> vector<400x1024xf32>
    %slice3A_230 = vector.extract_strided_slice %reshape3A_124 {offsets = [11, 0, 0], sizes = [1, 400, 16], strides = [1, 1, 1]} : vector<16x400x16xf32> to vector<1x400x16xf32>
    %squeeze3A_231 = vector.shape_cast %slice3A_230 : vector<1x400x16xf32> to vector<400x16xf32>
    %dot_general3A_232 = arith.constant dense<0.000000e+00> : vector<400x1024xf32>
    %dot_general3A_233 = tpu.matmul %squeeze3A_231, %get3A_127, %dot_general3A_232 {dimension_numbers = #tpu.dot_dimension_numbers<[1], [0], [0], [1], [0, 0, 1, 1], [], []>, transpose_lhs_hint = false} : vector<400x16xf32>, vector<16x1024xf32>, vector<400x1024xf32> -> vector<400x1024xf32>
    %mul3A_234 = arith.mulf %concatenate3A_229, %dot_general3A_233 : vector<400x1024xf32>
    %add3A_235 = arith.addf %add3A_226, %mul3A_234 : vector<400x1024xf32>
    %slice3A_236 = vector.extract_strided_slice %slice3A {offsets = [12, 0, 0], sizes = [1, 400, 64], strides = [1, 1, 1]} : vector<16x400x64xf32> to vector<1x400x64xf32>
    %squeeze3A_237 = vector.shape_cast %slice3A_236 : vector<1x400x64xf32> to vector<400x64xf32>
    %concatenate3A_238 = tpu.concatenate %squeeze3A_237, %squeeze3A_237, %squeeze3A_237, %squeeze3A_237, %squeeze3A_237, %squeeze3A_237, %squeeze3A_237, %squeeze3A_237, %squeeze3A_237, %squeeze3A_237, %squeeze3A_237, %squeeze3A_237, %squeeze3A_237, %squeeze3A_237, %squeeze3A_237, %squeeze3A_237 in 1 : vector<400x64xf32>, vector<400x64xf32>, vector<400x64xf32>, vector<400x64xf32>, vector<400x64xf32>, vector<400x64xf32>, vector<400x64xf32>, vector<400x64xf32>, vector<400x64xf32>, vector<400x64xf32>, vector<400x64xf32>, vector<400x64xf32>, vector<400x64xf32>, vector<400x64xf32>, vector<400x64xf32>, vector<400x64xf32> -> vector<400x1024xf32>
    %slice3A_239 = vector.extract_strided_slice %reshape3A_124 {offsets = [12, 0, 0], sizes = [1, 400, 16], strides = [1, 1, 1]} : vector<16x400x16xf32> to vector<1x400x16xf32>
    %squeeze3A_240 = vector.shape_cast %slice3A_239 : vector<1x400x16xf32> to vector<400x16xf32>
    %dot_general3A_241 = arith.constant dense<0.000000e+00> : vector<400x1024xf32>
    %dot_general3A_242 = tpu.matmul %squeeze3A_240, %get3A_127, %dot_general3A_241 {dimension_numbers = #tpu.dot_dimension_numbers<[1], [0], [0], [1], [0, 0, 1, 1], [], []>, transpose_lhs_hint = false} : vector<400x16xf32>, vector<16x1024xf32>, vector<400x1024xf32> -> vector<400x1024xf32>
    %mul3A_243 = arith.mulf %concatenate3A_238, %dot_general3A_242 : vector<400x1024xf32>
    %add3A_244 = arith.addf %add3A_235, %mul3A_243 : vector<400x1024xf32>
    %slice3A_245 = vector.extract_strided_slice %slice3A {offsets = [13, 0, 0], sizes = [1, 400, 64], strides = [1, 1, 1]} : vector<16x400x64xf32> to vector<1x400x64xf32>
    %squeeze3A_246 = vector.shape_cast %slice3A_245 : vector<1x400x64xf32> to vector<400x64xf32>
    %concatenate3A_247 = tpu.concatenate %squeeze3A_246, %squeeze3A_246, %squeeze3A_246, %squeeze3A_246, %squeeze3A_246, %squeeze3A_246, %squeeze3A_246, %squeeze3A_246, %squeeze3A_246, %squeeze3A_246, %squeeze3A_246, %squeeze3A_246, %squeeze3A_246, %squeeze3A_246, %squeeze3A_246, %squeeze3A_246 in 1 : vector<400x64xf32>, vector<400x64xf32>, vector<400x64xf32>, vector<400x64xf32>, vector<400x64xf32>, vector<400x64xf32>, vector<400x64xf32>, vector<400x64xf32>, vector<400x64xf32>, vector<400x64xf32>, vector<400x64xf32>, vector<400x64xf32>, vector<400x64xf32>, vector<400x64xf32>, vector<400x64xf32>, vector<400x64xf32> -> vector<400x1024xf32>
    %slice3A_248 = vector.extract_strided_slice %reshape3A_124 {offsets = [13, 0, 0], sizes = [1, 400, 16], strides = [1, 1, 1]} : vector<16x400x16xf32> to vector<1x400x16xf32>
    %squeeze3A_249 = vector.shape_cast %slice3A_248 : vector<1x400x16xf32> to vector<400x16xf32>
    %dot_general3A_250 = arith.constant dense<0.000000e+00> : vector<400x1024xf32>
    %dot_general3A_251 = tpu.matmul %squeeze3A_249, %get3A_127, %dot_general3A_250 {dimension_numbers = #tpu.dot_dimension_numbers<[1], [0], [0], [1], [0, 0, 1, 1], [], []>, transpose_lhs_hint = false} : vector<400x16xf32>, vector<16x1024xf32>, vector<400x1024xf32> -> vector<400x1024xf32>
    %mul3A_252 = arith.mulf %concatenate3A_247, %dot_general3A_251 : vector<400x1024xf32>
    %add3A_253 = arith.addf %add3A_244, %mul3A_252 : vector<400x1024xf32>
    %slice3A_254 = vector.extract_strided_slice %slice3A {offsets = [14, 0, 0], sizes = [1, 400, 64], strides = [1, 1, 1]} : vector<16x400x64xf32> to vector<1x400x64xf32>
    %squeeze3A_255 = vector.shape_cast %slice3A_254 : vector<1x400x64xf32> to vector<400x64xf32>
    %concatenate3A_256 = tpu.concatenate %squeeze3A_255, %squeeze3A_255, %squeeze3A_255, %squeeze3A_255, %squeeze3A_255, %squeeze3A_255, %squeeze3A_255, %squeeze3A_255, %squeeze3A_255, %squeeze3A_255, %squeeze3A_255, %squeeze3A_255, %squeeze3A_255, %squeeze3A_255, %squeeze3A_255, %squeeze3A_255 in 1 : vector<400x64xf32>, vector<400x64xf32>, vector<400x64xf32>, vector<400x64xf32>, vector<400x64xf32>, vector<400x64xf32>, vector<400x64xf32>, vector<400x64xf32>, vector<400x64xf32>, vector<400x64xf32>, vector<400x64xf32>, vector<400x64xf32>, vector<400x64xf32>, vector<400x64xf32>, vector<400x64xf32>, vector<400x64xf32> -> vector<400x1024xf32>
    %slice3A_257 = vector.extract_strided_slice %reshape3A_124 {offsets = [14, 0, 0], sizes = [1, 400, 16], strides = [1, 1, 1]} : vector<16x400x16xf32> to vector<1x400x16xf32>
    %squeeze3A_258 = vector.shape_cast %slice3A_257 : vector<1x400x16xf32> to vector<400x16xf32>
    %dot_general3A_259 = arith.constant dense<0.000000e+00> : vector<400x1024xf32>
    %dot_general3A_260 = tpu.matmul %squeeze3A_258, %get3A_127, %dot_general3A_259 {dimension_numbers = #tpu.dot_dimension_numbers<[1], [0], [0], [1], [0, 0, 1, 1], [], []>, transpose_lhs_hint = false} : vector<400x16xf32>, vector<16x1024xf32>, vector<400x1024xf32> -> vector<400x1024xf32>
    %mul3A_261 = arith.mulf %concatenate3A_256, %dot_general3A_260 : vector<400x1024xf32>
    %add3A_262 = arith.addf %add3A_253, %mul3A_261 : vector<400x1024xf32>
    %slice3A_263 = vector.extract_strided_slice %slice3A {offsets = [15, 0, 0], sizes = [1, 400, 64], strides = [1, 1, 1]} : vector<16x400x64xf32> to vector<1x400x64xf32>
    %squeeze3A_264 = vector.shape_cast %slice3A_263 : vector<1x400x64xf32> to vector<400x64xf32>
    %concatenate3A_265 = tpu.concatenate %squeeze3A_264, %squeeze3A_264, %squeeze3A_264, %squeeze3A_264, %squeeze3A_264, %squeeze3A_264, %squeeze3A_264, %squeeze3A_264, %squeeze3A_264, %squeeze3A_264, %squeeze3A_264, %squeeze3A_264, %squeeze3A_264, %squeeze3A_264, %squeeze3A_264, %squeeze3A_264 in 1 : vector<400x64xf32>, vector<400x64xf32>, vector<400x64xf32>, vector<400x64xf32>, vector<400x64xf32>, vector<400x64xf32>, vector<400x64xf32>, vector<400x64xf32>, vector<400x64xf32>, vector<400x64xf32>, vector<400x64xf32>, vector<400x64xf32>, vector<400x64xf32>, vector<400x64xf32>, vector<400x64xf32>, vector<400x64xf32> -> vector<400x1024xf32>
    %slice3A_266 = vector.extract_strided_slice %reshape3A_124 {offsets = [15, 0, 0], sizes = [1, 400, 16], strides = [1, 1, 1]} : vector<16x400x16xf32> to vector<1x400x16xf32>
    %squeeze3A_267 = vector.shape_cast %slice3A_266 : vector<1x400x16xf32> to vector<400x16xf32>
    %dot_general3A_268 = arith.constant dense<0.000000e+00> : vector<400x1024xf32>
    %dot_general3A_269 = tpu.matmul %squeeze3A_267, %get3A_127, %dot_general3A_268 {dimension_numbers = #tpu.dot_dimension_numbers<[1], [0], [0], [1], [0, 0, 1, 1], [], []>, transpose_lhs_hint = false} : vector<400x16xf32>, vector<16x1024xf32>, vector<400x1024xf32> -> vector<400x1024xf32>
    %mul3A_270 = arith.mulf %concatenate3A_265, %dot_general3A_269 : vector<400x1024xf32>
    %add3A_271 = arith.addf %add3A_262, %mul3A_270 : vector<400x1024xf32>
    %get3A_272 = arith.constant 0 : index
    %get3A_273 = arith.constant 0 : index
    %get3A_274 = vector.load %arg17[%get3A_272, %get3A_273] : memref<1024x64xf32, #tpu.memory_space<vmem>>, vector<1024x64xf32>
    %dot_general3A_275 = arith.constant dense<0.000000e+00> : vector<400x64xf32>
    %dot_general3A_276 = tpu.matmul %add3A_271, %get3A_274, %dot_general3A_275 {dimension_numbers = #tpu.dot_dimension_numbers<[1], [0], [0], [1], [0, 0, 1, 1], [], []>, transpose_lhs_hint = false} : vector<400x1024xf32>, vector<1024x64xf32>, vector<400x64xf32> -> vector<400x64xf32>
    %get3A_277 = arith.constant 0 : index
    %get3A_278 = arith.constant 0 : index
    %get3A_279 = vector.load %arg18[%get3A_277, %get3A_278] : memref<1x64xf32, #tpu.memory_space<vmem>>, vector<1x64xf32>
    %add3A_280 = vector.broadcast %get3A_279 : vector<1x64xf32> to vector<400x64xf32>
    %add3A_281 = arith.addf %dot_general3A_276, %add3A_280 : vector<400x64xf32>
    %get3A_282 = arith.constant 0 : index
    %get3A_283 = arith.constant 0 : index
    %get3A_284 = vector.load %arg19[%get3A_282, %get3A_283] : memref<1x64xf32, #tpu.memory_space<vmem>>, vector<1x64xf32>
    %get3A_285 = arith.constant 0 : index
    %get3A_286 = arith.constant 0 : index
    %get3A_287 = vector.load %arg20[%get3A_285, %get3A_286] : memref<1x64xf32, #tpu.memory_space<vmem>>, vector<1x64xf32>
    %broadcast_in_dim3A_288 = arith.constant 1.562500e-02 : f32
    %broadcast_in_dim3A_289 = vector.broadcast %broadcast_in_dim3A_288 : f32 to vector<64x64xf32>
    %dot_general3A_290 = arith.constant dense<0.000000e+00> : vector<400x64xf32>
    %dot_general3A_291 = tpu.matmul %add3A_281, %broadcast_in_dim3A_289, %dot_general3A_290 {dimension_numbers = #tpu.dot_dimension_numbers<[1], [0], [0], [1], [0, 0, 1, 1], [], []>, transpose_lhs_hint = false} : vector<400x64xf32>, vector<64x64xf32>, vector<400x64xf32> -> vector<400x64xf32>
    %mul3A_292 = arith.mulf %add3A_281, %add3A_281 : vector<400x64xf32>
    %dot_general3A_293 = arith.constant dense<0.000000e+00> : vector<400x64xf32>
    %dot_general3A_294 = tpu.matmul %mul3A_292, %broadcast_in_dim3A_289, %dot_general3A_293 {dimension_numbers = #tpu.dot_dimension_numbers<[1], [0], [0], [1], [0, 0, 1, 1], [], []>, transpose_lhs_hint = false} : vector<400x64xf32>, vector<64x64xf32>, vector<400x64xf32> -> vector<400x64xf32>
    %mul3A_295 = arith.mulf %dot_general3A_291, %dot_general3A_291 : vector<400x64xf32>
    %sub3A_296 = arith.subf %dot_general3A_294, %mul3A_295 : vector<400x64xf32>
    %sub3A_297 = arith.subf %add3A_281, %dot_general3A_291 : vector<400x64xf32>
    %add3A_298 = arith.constant 9.99999974E-6 : f32
    %add3A_299 = vector.broadcast %add3A_298 : f32 to vector<400x64xf32>
    %add3A_300 = arith.addf %sub3A_296, %add3A_299 : vector<400x64xf32>
    %rsqrt3A_301 = math.rsqrt %add3A_300 : vector<400x64xf32>
    %mul3A_302 = arith.mulf %sub3A_297, %rsqrt3A_301 : vector<400x64xf32>
    %mul3A_303 = vector.broadcast %get3A_284 : vector<1x64xf32> to vector<400x64xf32>
    %mul3A_304 = arith.mulf %mul3A_302, %mul3A_303 : vector<400x64xf32>
    %add3A_305 = vector.broadcast %get3A_287 : vector<1x64xf32> to vector<400x64xf32>
    %add3A_306 = arith.addf %mul3A_304, %add3A_305 : vector<400x64xf32>
    %ge3A_307 = arith.constant 0.000000e+00 : f32
    %ge3A_308 = vector.broadcast %ge3A_307 : f32 to vector<400x64xf32>
    %ge3A_309 = arith.cmpf oge, %add3A_306, %ge3A_308 : vector<400x64xf32>
    %mul3A_310 = arith.constant 1.000000e-01 : f32
    %mul3A_311 = vector.broadcast %mul3A_310 : f32 to vector<400x64xf32>
    %mul3A_312 = arith.mulf %mul3A_311, %add3A_306 : vector<400x64xf32>
    %select_n3A_313 = arith.select %ge3A_309, %add3A_306, %mul3A_312 : vector<400x64xi1>, vector<400x64xf32>
    %get3A_314 = arith.constant 0 : index
    %get3A_315 = arith.constant 0 : index
    %get3A_316 = vector.load %arg3[%get3A_314, %get3A_315] : memref<400x64xf32, #tpu.memory_space<vmem>>, vector<400x64xf32>
    %add3A_317 = arith.addf %select_n3A_313, %get3A_316 : vector<400x64xf32>
    %swap3A_318 = arith.constant 0 : index
    %swap3A_319 = arith.constant 0 : index
    %swap3A_320 = vector.load %arg21[%swap3A_318, %swap3A_319] : memref<400x64xf32, #tpu.memory_space<vmem>>, vector<400x64xf32>
    tpu.vector_store %arg21[%swap3A_318, %swap3A_319], %add3A_317 {strides = array<i32>} : memref<400x64xf32, #tpu.memory_space<vmem>>, vector<400x64xf32>,
    return
  }
  func.func @transform_0(%arg0: i32) -> (i32, i32, i32) {
    %c0_i32 = arith.constant 0 : i32
    %c0_i32_0 = arith.constant 0 : i32
    %c0_i32_1 = arith.constant 0 : i32
    return %c0_i32, %arg0, %c0_i32_0 : i32, i32, i32
  }
  func.func @transform_1(%arg0: i32) -> (i32, i32) {
    %c0_i32 = arith.constant 0 : i32
    %c0_i32_0 = arith.constant 0 : i32
    return %arg0, %c0_i32 : i32, i32
  }
  func.func @transform_2(%arg0: i32) -> (i32, i32) {
    %c0_i32 = arith.constant 0 : i32
    %c0_i32_0 = arith.constant 0 : i32
    return %arg0, %c0_i32 : i32, i32
  }
  func.func @transform_3(%arg0: i32) -> (i32, i32) {
    %c0_i32 = arith.constant 0 : i32
    %c0_i32_0 = arith.constant 0 : i32
    %c0_i32_1 = arith.constant 0 : i32
    return %c0_i32, %c0_i32_0 : i32, i32
  }
  func.func @transform_4(%arg0: i32) -> (i32, i32) {
    %c0_i32 = arith.constant 0 : i32
    %c0_i32_0 = arith.constant 0 : i32
    %c0_i32_1 = arith.constant 0 : i32
    return %c0_i32, %c0_i32_0 : i32, i32
  }
  func.func @transform_5(%arg0: i32) -> (i32, i32) {
    %c0_i32 = arith.constant 0 : i32
    %c0_i32_0 = arith.constant 0 : i32
    %c0_i32_1 = arith.constant 0 : i32
    return %c0_i32, %c0_i32_0 : i32, i32
  }
  func.func @transform_6(%arg0: i32) -> (i32, i32) {
    %c0_i32 = arith.constant 0 : i32
    %c0_i32_0 = arith.constant 0 : i32
    %c0_i32_1 = arith.constant 0 : i32
    return %c0_i32, %c0_i32_0 : i32, i32
  }
  func.func @transform_7(%arg0: i32) -> (i32, i32) {
    %c0_i32 = arith.constant 0 : i32
    %c0_i32_0 = arith.constant 0 : i32
    %c0_i32_1 = arith.constant 0 : i32
    return %c0_i32, %c0_i32_0 : i32, i32
  }
  func.func @transform_8(%arg0: i32) -> (i32, i32) {
    %c0_i32 = arith.constant 0 : i32
    %c0_i32_0 = arith.constant 0 : i32
    %c0_i32_1 = arith.constant 0 : i32
    return %c0_i32, %c0_i32_0 : i32, i32
  }
  func.func @transform_9(%arg0: i32) -> (i32, i32) {
    %c0_i32 = arith.constant 0 : i32
    %c0_i32_0 = arith.constant 0 : i32
    %c0_i32_1 = arith.constant 0 : i32
    return %c0_i32, %c0_i32_0 : i32, i32
  }
  func.func @transform_10(%arg0: i32) -> (i32, i32) {
    %c0_i32 = arith.constant 0 : i32
    %c0_i32_0 = arith.constant 0 : i32
    %c0_i32_1 = arith.constant 0 : i32
    return %c0_i32, %c0_i32_0 : i32, i32
  }
  func.func @transform_11(%arg0: i32) -> (i32, i32) {
    %c0_i32 = arith.constant 0 : i32
    %c0_i32_0 = arith.constant 0 : i32
    %c0_i32_1 = arith.constant 0 : i32
    return %c0_i32, %c0_i32_0 : i32, i32
  }
  func.func @transform_12(%arg0: i32) -> (i32, i32) {
    %c0_i32 = arith.constant 0 : i32
    %c0_i32_0 = arith.constant 0 : i32
    %c0_i32_1 = arith.constant 0 : i32
    return %c0_i32, %c0_i32_0 : i32, i32
  }
  func.func @transform_13(%arg0: i32) -> (i32, i32) {
    %c0_i32 = arith.constant 0 : i32
    %c0_i32_0 = arith.constant 0 : i32
    %c0_i32_1 = arith.constant 0 : i32
    return %c0_i32, %c0_i32_0 : i32, i32
  }
  func.func @transform_14(%arg0: i32) -> (i32, i32) {
    %c0_i32 = arith.constant 0 : i32
    %c0_i32_0 = arith.constant 0 : i32
    %c0_i32_1 = arith.constant 0 : i32
    return %c0_i32, %c0_i32_0 : i32, i32
  }
  func.func @transform_15(%arg0: i32) -> (i32, i32) {
    %c0_i32 = arith.constant 0 : i32
    %c0_i32_0 = arith.constant 0 : i32
    %c0_i32_1 = arith.constant 0 : i32
    return %c0_i32, %c0_i32_0 : i32, i32
  }
  func.func @transform_16(%arg0: i32) -> (i32, i32) {
    %c0_i32 = arith.constant 0 : i32
    %c0_i32_0 = arith.constant 0 : i32
    %c0_i32_1 = arith.constant 0 : i32
    return %c0_i32, %c0_i32_0 : i32, i32
  }
  func.func @transform_17(%arg0: i32) -> (i32, i32) {
    %c0_i32 = arith.constant 0 : i32
    %c0_i32_0 = arith.constant 0 : i32
    %c0_i32_1 = arith.constant 0 : i32
    return %c0_i32, %c0_i32_0 : i32, i32
  }
  func.func @transform_18(%arg0: i32) -> (i32, i32) {
    %c0_i32 = arith.constant 0 : i32
    %c0_i32_0 = arith.constant 0 : i32
    %c0_i32_1 = arith.constant 0 : i32
    return %c0_i32, %c0_i32_0 : i32, i32
  }
  func.func @transform_19(%arg0: i32) -> (i32, i32) {
    %c0_i32 = arith.constant 0 : i32
    %c0_i32_0 = arith.constant 0 : i32
    %c0_i32_1 = arith.constant 0 : i32
    return %c0_i32, %c0_i32_0 : i32, i32
  }
  func.func @transform_20(%arg0: i32) -> (i32, i32) {
    %c0_i32 = arith.constant 0 : i32
    %c0_i32_0 = arith.constant 0 : i32
    return %arg0, %c0_i32 : i32, i32
  }
  func.func @transform_21(%arg0: i32) -> (i32, i32, i32) {
    %c0_i32 = arith.constant 0 : i32
    %c0_i32_0 = arith.constant 0 : i32
    %c0_i32_1 = arith.constant 0 : i32
    return %c0_i32, %arg0, %c0_i32_0 : i32, i32, i32
  }
}

</mosaic_0001>

<sc_bundles>
// kernel: kernel.4.cloned.1.call-start
scs
__scs_entry_jumppad:
0x0: {  	(pc) =	sbr.rel $0x88, $3  }
0x1: {  	(tag) =	ssettag $0x0;
	lr =	simm.s32 $0x1  }
0x2: {  	[smem:$0x3F8C] =	sst lr;
	_ =	strace $0xD0000000  }
0x3: {  	_ = 	snop  }
0x4: {  	_ = 	snop  }
0x5: {  	_ = 	snop  }
0x6: {  	_ = 	snop  }
0x7: {  	_ = 	snop  }
__scs_overlays_trampoline_lowered:
0x8: {  	[smem:$0x3F9B] =	sst s0  }
0x9: {  	[smem:$0x3F9C] =	sst s1  }
0xa: {  	[smem:$0x3F9D] =	sst s2  }
0xb: {  	[smem:$0x3F9E] =	sst s3  }
0xc: {  	[smem:$0x3F9F] =	sst s4  }
0xd: {  	[smem:$0x3FA0] =	sst s5  }
0xe: {  	[smem:$0x3FA1] =	sst s6  }
0xf: {  	[smem:$0x3FA2] =	sst s7  }
0x10: {  	[smem:$0x3FA3] =	sst s8  }
0x11: {  	[smem:$0x3FA4] =	sst s9;
	s0 =	simm.s32 @!p0 $0x0  }
0x12: {  	s1 =	sld [smem:$0x3F8A];
	s0 =	simm.s32 @p0 $0x1  }
0x13: {  	[smem:$0x3FA5] =	sst s0;
	s0 =	simm.s32 @!p1 $0x0  }
0x14: {  	s2 =	sld [smem:$0x3F89];
	s0 =	simm.s32 @p1 $0x1  }
0x15: {  	[smem:$0x3FA6] =	sst s0;
	s0 =	simm.s32 @!p2 $0x0  }
0x16: {  	s3 =	sld [smem:$0x3FDB];
	s0 =	simm.s32 @p2 $0x1  }
0x17: {  	s4 =	simm.s32 $0x1BF5;
	[smem:$0x3FA8] =	sst s0  }
0x18: {  	s0 =	sld [smem:$0x3F8B];
	_ =	swait.ge [sflag:s4], $0x0  }
0x19: {  	s7 =	sld [smem:$0x3F8C]  }
0x1a: {  	s8 =	sadd.s32 $0xFFFFE003, lr  }
0x1b: {  	s9 =	sadd.s32 $0xFFFFFEF7, lr;
	s5 =	simm.s32 $0xFFFFFFFF;
	p2 =	slt.u32 s8, $0xFFFFF086  }
0x1c: {  	p1 =	slt.u32 s9, $0xF7A;
	s5 =	simm.s32 @!p2 $0x0  }
0x1d: {  	s5 =	simm.s32 @p1 $0x1;
	p0 =	seq.s32 s7, s2  }
0x1e: {  	s7 =	smul.u32 @!p0 $0xF7A, s2;
	p2 =	seq.s32 @!p0 s5, $0x0  }
0x1f: {  	s9 =	smul.u32 $0xF7A, s1;
	s8 =	simm.s32 @!p0 $0x1BF5;
	p2 =	por !p2, p0  }
0x20: {  	[sflag:s8] =	ssyncset.s32 @!p0 $0xFFFFF086;
	s6 =	sadd.s32 @!p0 s3, s7;
	s7 =	simm.s32 @!p0 $0x108  }
0x21: {  	s3 =	sadd.s32 s3, s9;
	s6 =	sadd.s32 @!p0 $0x88, s6;
	s7 =	simm.s32 @p2 $0x1082  }
0x22: {  	[simem:s7], [sflag:s8] =	dma.local @!p0 [hbm:s6], $0xF7A  }
0x23: {  	s9 =	sor.u32 $0xD0000000, s2;
	s6 =	simm.s32 $0x108;
	_ =	swait.ge @!p0 [sflag:s8], $0x0  }
0x24: {  	s3 =	sadd.s32 $0x88, s3;
	s6 =	simm.s32 @!p1 $0x1082;
	[sflag:s4] =	ssyncset.s32 $0xFFFFF086  }
0x25: {  	[simem:s6], [sflag:s4] =	dma.local [hbm:s3], $0xF7A  }
0x26: {  	[smem:$0x3F8C] =	sst s1;
	(tag) =	ssettag s2;
	_ =	strace s9  }
0x27: {  	s1 =	sld [smem:$0x3F9C]  }
0x28: {  	s2 =	sld [smem:$0x3F9D]  }
0x29: {  	s4 =	sld [smem:$0x3F9F]  }
0x2a: {  	p0 =	seq.s32 s5, $0x0;
	s5 =	sld [smem:$0x3FA0]  }
0x2b: {  	s6 =	sld [smem:$0x3FA1]  }
0x2c: {  	s7 =	sld [smem:$0x3FA2]  }
0x2d: {  	s3 =	simm.s32 $0x108;
	s8 =	sld [smem:$0x3FA3]  }
0x2e: {  	s3 =	simm.s32 @!p0 $0x1082;
	s9 =	sld [smem:$0x3FA4]  }
0x2f: {  	lr =	sadd.s32 s0, s3;
	s0 =	sld [smem:$0x3F9B]  }
0x30: {  	s3 =	sld [smem:$0x3F9E]  }
0x31: {  	[smem:$0x3FA7] =	sst s10  }
0x32: {  	s10 =	sld [smem:$0x3FA5];
	_ =	sdelay $0x3  }
0x33: {  	p0 =	seq.s32 s10, $0x1;
	s10 =	sld [smem:$0x3FA7];
	_ =	sdelay $0x3  }
0x34: {  	[smem:$0x3FA7] =	sst s10  }
0x35: {  	s10 =	sld [smem:$0x3FA6];
	_ =	sdelay $0x3  }
0x36: {  	p1 =	seq.s32 s10, $0x1;
	s10 =	sld [smem:$0x3FA7];
	_ =	sdelay $0x3  }
0x37: {  	[smem:$0x3FA7] =	sst s10  }
0x38: {  	s10 =	sld [smem:$0x3FA8]  }
0x39: {  	_ = 	snop;
	(pc) =	sbr.ind lr, $3  }
0x3a: {  	_ = 	snop  }
0x3b: {  	_ = 	snop  }
0x3c: {  	p2 =	seq.s32 s10, $0x1;
	s10 =	sld [smem:$0x3FA7]  }
0x3d: {  	_ =	shalt  }
0x3e: {  	_ =	shalt  }
0x3f: {  	_ =	shalt  }
0x40: {  	_ =	shalt  }
0x41: {  	_ =	shalt  }
0x42: {  	_ =	shalt  }
0x43: {  	_ =	shalt  }
0x44: {  	_ =	shalt  }
0x45: {  	_ =	shalt  }
0x46: {  	_ =	shalt  }
0x47: {  	_ =	shalt  }
0x48: {  	_ =	shalt  }
0x49: {  	_ =	shalt  }
0x4a: {  	_ =	shalt  }
0x4b: {  	_ =	shalt  }
0x4c: {  	_ =	shalt  }
0x4d: {  	_ =	shalt  }
0x4e: {  	_ =	shalt  }
0x4f: {  	_ =	shalt  }
0x50: {  	_ =	shalt  }
0x51: {  	_ =	shalt  }
0x52: {  	_ =	shalt  }
0x53: {  	_ =	shalt  }
0x54: {  	_ =	shalt  }
0x55: {  	_ =	shalt  }
0x56: {  	_ =	shalt  }
0x57: {  	_ =	shalt  }
0x58: {  	_ =	shalt  }
0x59: {  	_ =	shalt  }
0x5a: {  	_ =	shalt  }
0x5b: {  	_ =	shalt  }
0x5c: {  	_ =	shalt  }
0x5d: {  	_ =	shalt  }
0x5e: {  	_ =	shalt  }
0x5f: {  	_ =	shalt  }
0x60: {  	_ =	shalt  }
0x61: {  	_ =	shalt  }
0x62: {  	_ =	shalt  }
0x63: {  	_ =	shalt  }
0x64: {  	_ =	shalt  }
0x65: {  	_ =	shalt  }
0x66: {  	_ =	shalt  }
0x67: {  	_ =	shalt  }
0x68: {  	_ =	shalt  }
0x69: {  	_ =	shalt  }
0x6a: {  	_ =	shalt  }
0x6b: {  	_ =	shalt  }
0x6c: {  	_ =	shalt  }
0x6d: {  	_ =	shalt  }
0x6e: {  	_ =	shalt  }
0x6f: {  	_ =	shalt  }
0x70: {  	_ =	shalt  }
0x71: {  	_ =	shalt  }
0x72: {  	_ =	shalt  }
0x73: {  	_ =	shalt  }
0x74: {  	_ =	shalt  }
0x75: {  	_ =	shalt  }
0x76: {  	_ =	shalt  }
0x77: {  	_ =	shalt  }
0x78: {  	_ =	shalt  }
0x79: {  	_ =	shalt  }
0x7a: {  	_ =	shalt  }
0x7b: {  	_ =	shalt  }
0x7c: {  	_ =	shalt  }
0x7d: {  	_ =	shalt  }
0x7e: {  	_ =	shalt  }
0x7f: {  	_ =	shalt  }
0x80: {  	_ =	shalt  }
0x81: {  	_ =	shalt  }
0x82: {  	_ =	shalt  }
0x83: {  	_ =	shalt  }
0x84: {  	_ =	shalt  }
0x85: {  	_ =	shalt  }
0x86: {  	_ =	shalt  }
0x87: {  	_ =	shalt  }
.Lfunc_end0:
.L_simem_size_0:
called_computation_lowered:
.L_overlay_start_0:
0x88: {  	s2 =	sld [smem:$0x3FD9]  }
0x89: {  	s3 =	sld [smem:$0x3FFE];
	_ =	sdelay $0x1  }
0x8a: {  	s1 =	srdreg.scid  }
0x8b: {  	s0 =	sand.u32 $0x1, s1  }
0x8c: {  	s14 =	sshll.u32 s0, $0xA;
	s2 =	sadd.s32 s3, s2  }
0x8d: {  	s2 =	sadd.s32 s2, s14  }
0x8e: {  	[smem:$0x3FB3] =	sst s2  }
0x8f: {  	_ = 	snop  }
0x90: {  	s2 =	sld [smem:$0x3FD0];
	_ =	sdelay $0x2  }
0x91: {  	s15 =	simm.s32 $0xA;
	s4 =	simm.s32 $0x10  }
0x92: {  	[smem:s4], [sflag:s15] =	dma.local [hbm:s2], $0x1  }
0x93: {  	_ =	swait.eq [sflag:s15], $0x1  }
0x94: {  	[sflag:s15] =	ssyncset.done $0x0  }
0x95: {  	s16 =	sld [smem:$0x10];
	[sflag:s15] =	ssyncadd.s32 $0xFFFFFFFF  }
0x96: {  	s17 =	sld [smem:$0x11];
	(tm) =	ssettm $0x1  }
0x97: {  	s18 =	sld [smem:$0x3FFB];
	_ =	sdelay $0x3  }
0x98: {  	_ =	strace s18  }
0x99: {  	s4 =	sld [smem:$0x3FFC];
	_ =	sdelay $0x3  }
0x9a: {  	_ =	strace s4  }
0x9b: {  	s4 =	sld [smem:$0x3FFD];
	_ =	sdelay $0x3  }
0x9c: {  	_ =	strace s4  }
0x9d: {  	_ =	strace $0x8FFFFFFF  }
0x9e: {  	s19 =	sld [smem:$0x3FDB];
	_ =	sdelay $0x1  }
0x9f: {  	s5 =	simm.s32 $_scs_section_size  }
0xa0: {  	s6 =	simm.s32 $_size__tile_overlayer_lowered;
	s7 =	simm.s32 $_tile_overlayer_lowered  }
0xa1: {  	s22 =	simm.s32 $0x1BFF;
	s21 =	sshll.u32 s7, $0x1;
	s4 =	sadd.s32 s5, s19  }
0xa2: {  	s8 =	simm.s32 $0x0;
	s20 =	sshll.u32 s6, $0x1;
	s6 =	sadd.s32 s21, s4  }
0xa3: {  	[timem:s8], [sflag:s22] =	dma.local [hbm:s6], s20  }
0xa4: {  	_ =	swait.ge [sflag:s22], s20  }
0xa5: {  	s5 =	ssub.s32 $0x0, s20;
	[sflag:s22] =	ssyncset.done $0x0  }
0xa6: {  	[sflag:s22] =	ssyncadd.s32 s5;
	_ =	sdelay $0x1  }
0xa7: {  	s23 =	simm.s32 $0x1B8B  }
0xa8: {  	_ =	swait.ge [sflag:s23], $0x1  }
0xa9: {  	[sflag:s23] =	ssyncset.done $0x0  }
0xaa: {  	s25 =	simm.s32 $0x1B8E;
	s24 =	sld [smem:$0x3FFE];
	[sflag:s23] =	ssyncadd.s32 $0xFFFFFFFF  }
0xab: {  	s26 =	simm.s32 $execute0_lowered;
	[smem:$0x3FD2] =	sst s25  }
0xac: {  	s6 =	sshll.u32 s26, $0x1;
	_ =	strace $0x80000046;
	[dreg:$0x1] =	wrdreg $0xFFFFFFFF  }
0xad: {  	s28 =	simm.s32 $_size_execute0_lowered;
	s4 =	sadd.s32 s4, s6;
	[dreg:$0x0] =	wrdreg $0x0  }
0xae: {  	s6 =	sshll.u32 s28, $0x1;
	[dreg:$0x2] =	wrdreg s4  }
0xaf: {  	[dreg:$0x3] =	wrdreg s6  }
0xb0: {  	[dreg:$0x4] =	wrdreg $0xC0  }
0xb1: {  	_ =	task [dreg:s8], $0x5FFFF  }
0xb2: {  	[dreg:$0x1] =	wrdreg $0xFFFFFFFF  }
0xb3: {  	[dreg:$0x0] =	wrdreg $0x60  }
0xb4: {  	[dreg:$0x2] =	wrdreg s17  }
0xb5: {  	[dreg:$0x3] =	wrdreg s16  }
0xb6: {  	[dreg:$0x4] =	wrdreg s24  }
0xb7: {  	[dreg:$0x5] =	wrdreg $0x9  }
0xb8: {  	_ =	task.clear_ibuf [dreg:s8], $0x6FFFF;
	_ =	strace $0x90000046  }
0xb9: {  	s29 =	simm.s32 $0x9;
	_ =	strace $0x80000048  }
0xba: {  	_ =	swait.ge [sflag:s29], $0x1  }
0xbb: {  	[sflag:s29] =	ssyncadd.s32 $0xFFFFFFFF  }
0xbc: {  	_ =	strace $0x90000048  }
0xbd: {  	_ =	sfence  }
0xbe: {  	s30 =	sld [smem:$0x0];
	_ =	sdelay $0x2  }
0xbf: {  	s31 =	sshll.u32 s1, $0xD;
	s1 =	sshrl.u32 s1, $0x2  }
0xc0: {  	s3 =	sand.u32 $0x4000, s31;
	s1 =	sadd.s32 s1, s30  }
0xc1: {  	s0 =	sor.u32 s3, s0;
	s1 =	sshll.u32 s1, $0x11  }
0xc2: {  	s0 =	sor.u32 s1, s0  }
0xc3: {  	s0 =	sadd.s32 $0x8F2B, s0  }
0xc4: {  	[sflag:s0] =	ssyncadd.remote.s32 $0x1  }
0xc5: {  	_ =	sfence.sel $0xFFFF  }
0xc6: {  	[dreg:$0x0] =	wrdreg $0xFFFFFFFF;
	(pc) =	sbr.abs _section_cstart, $3  }
0xc7: {  	[dreg:$0x1] =	wrdreg $0xFFFFFFFF  }
0xc8: {  	_ =	task.clear_ibuf [dreg:s8], $0x2FFFF;
	_ =	strace $0x9FFFFFFF  }
0xc9: {  	(tm) =	ssettm $0x7FFFFFFF  }
tec
execute0_lowered:
.L_overlay_start_1:
0x0: {  	(tag) =	ssettag $0x1  }
0x1: {  	s1 =	rddreg [dreg:$0x0]  }
0x2: {  	s0 =	stileid.u32;
	s6 =	rddreg [dreg:$0x1]  }
0x3: {  	s2 =	srdreg.scid;
	s7 =	rddreg [dreg:$0x2]  }
0x4: {  	s3 =	simm.s32 $0x0;
	s11 =	simm.s32 $0x0;
	s4 =	smul.u32 $0xC3500, s0  }
0x5: {  	s5 =	sand.u32 $0x1, s2;
	s2 =	rddreg [dreg:$0x3];
	s9 =	smul.u32 $0xC350, s0  }
0x6: {  	[smem:$0x7FF] =	sst s3;
	s8 =	smul.u32 $0x61A80, s5;
	s10 =	ssub.s32 $0x2, s5  }
0x7: {  	s5 =	smul.u32 $0x61A8, s5;
	s4 =	sadd.s32 s4, s7;
	s30 =	sshrl.u32 s10, $0x1  }
0x8: {  	_ =	strace $0x80000047;
	s7 =	ssub.s32 s10, s30;
	s8 =	sadd.s32 s8, s4  }
0x9: {  	s9 =	sadd.s32 s5, s9;
	s10 =	simm.s32 $0x1;
	s4 =	smax.u32 s7, $0x1  }
0xa: {  	s5 =	sadd.s32 $0x3C00, s8;
	s31 =	sshrl.u32 s9, $0x3;
	s7 =	simm.s32 $0x2  }
0xb: {  	s8 =	simm.s32 $0x3E8;
	s9 =	simm.s32 $0x400;
	s6 =	sadd.s32 s31, s6  }
.LBB2_1:
0xc: {  	s12 =	sadd.s32 $0x0, s6  }
0xd: {  	[tilespmem:s3], [sflag:$0x2] =	stream.linear.gather [hbm4b:s12+s3], $0x3E8, $0x38;
	[tilespmem:$0x1F800] =	vst v63  }
0xe: {  	_ =	swait.ge [sflag:s7], $0x3E8  }
0xf: {  	[sflag:s7] =	ssyncset.done $0x0  }
0x10: {  	[sflag:s7] =	ssyncadd.s32 $0xFFFFFC18  }
0x11: {  	[tilespmem:s9], [sflag:$0x1] =	stream.indirect.gather [hbm4b:s1+s8], $0x80, s3, s8, $0xb8;
	[tilespmem:$0x1F800] =	vst v63  }
0x12: {  	_ =	swait.ge [sflag:s10], $0x1F400  }
0x13: {  	[sflag:s10] =	ssyncset.done $0x0  }
0x14: {  	[sflag:s10] =	ssyncadd.s32 $0xFFFE0C00  }
0x15: {  	[hbm4b:s5+s3] =	stream.linear.scatter [tilespmem:s9], [sflag:$0x2], $0x1F400, $0x38;
	[tilespmem:$0x1F800] =	vst v63  }
0x16: {  	s13 =	simm.s32 $0x7D;
	_ =	swait.ge [sflag:s7], $0x1F400  }
0x17: {  	s14 =	simm.s32 $0xFA;
	s12 =	sadd.s32 $0x3E80, s5;
	[sflag:s7] =	ssyncset.done $0x0  }
.LBB2_2:
0x18: {  	s15 =	sadd.s32 s13, s6  }
0x19: {  	[sflag:s7] =	ssyncadd.s32 $0xFFFE0C00;
	s13 =	smov.u32 s14;
	s16 =	sadd.s32 $0x7D, s14  }
0x1a: {  	[tilespmem:s3], [sflag:$0x2] =	stream.linear.gather [hbm4b:s15+s3], $0x3E8, $0x38;
	[tilespmem:$0x1F800] =	vst v63  }
0x1b: {  	p0 =	sne.s32 s14, $0xBB8;
	_ =	swait.ge [sflag:s7], $0x3E8  }
0x1c: {  	[sflag:s7] =	ssyncset.done $0x0  }
0x1d: {  	[sflag:s7] =	ssyncadd.s32 $0xFFFFFC18  }
0x1e: {  	[tilespmem:s9], [sflag:$0x1] =	stream.indirect.gather [hbm4b:s1+s8], $0x80, s3, s8, $0xb8;
	[tilespmem:$0x1F800] =	vst v63  }
0x1f: {  	_ =	swait.ge [sflag:s10], $0x1F400  }
.Ltmp0:
0x20: {  	[sflag:s10] =	ssyncset.done $0x0;
	(pc) =	sbr.rel @p0 .LBB2_2-.Ltmp0, $4  }
0x21: {  	[sflag:s10] =	ssyncadd.s32 $0xFFFE0C00  }
0x22: {  	[hbm4b:s12+s3] =	stream.linear.scatter [tilespmem:s9], [sflag:$0x2], $0x1F400, $0x38;
	[tilespmem:$0x1F800] =	vst v63  }
0x23: {  	_ =	swait.ge [sflag:s7], $0x1F400  }
0x24: {  	s14 =	smov.u32 s16;
	s12 =	sadd.s32 $0x3E80, s12;
	[sflag:s7] =	ssyncset.done $0x0  }
0x25: {  	s13 =	sadd.s32 s13, s6;
	[sflag:s7] =	ssyncadd.s32 $0xFFFE0C00  }
0x26: {  	[tilespmem:s3], [sflag:$0x2] =	stream.linear.gather [hbm4b:s13+s3], $0x3E8, $0x38;
	[tilespmem:$0x1F800] =	vst v63  }
0x27: {  	_ =	swait.ge [sflag:s7], $0x3E8  }
0x28: {  	[sflag:s7] =	ssyncset.done $0x0  }
0x29: {  	[sflag:s7] =	ssyncadd.s32 $0xFFFFFC18  }
0x2a: {  	[tilespmem:s9], [sflag:$0x1] =	stream.indirect.gather [hbm4b:s1+s8], $0x80, s3, s8, $0xb8;
	[tilespmem:$0x1F800] =	vst v63  }
0x2b: {  	s11 =	sadd.s32 $0x1, s11;
	_ =	swait.ge [sflag:s10], $0x1F400  }
0x2c: {  	p0 =	sne.s32 s11, s4;
	[sflag:s10] =	ssyncset.done $0x0  }
.Ltmp1:
0x2d: {  	[sflag:s10] =	ssyncadd.s32 $0xFFFE0C00;
	(pc) =	sbr.rel @p0 .LBB2_1-.Ltmp1, $4  }
0x2e: {  	[hbm4b:s12+s3] =	stream.linear.scatter [tilespmem:s9], [sflag:$0x2], $0x1F400, $0x38;
	[tilespmem:$0x1F800] =	vst v63  }
0x2f: {  	_ =	swait.ge [sflag:s7], $0x1F400  }
0x30: {  	[sflag:s7] =	ssyncset.done $0x0  }
0x31: {  	[sflag:s7] =	ssyncadd.s32 $0xFFFE0C00  }
0x32: {  	_ =	sfence.sel $0x180000  }
0x33: {  	[bflag:$0x0] =	sbarrier.arrive $0xFFFF  }
0x34: {  	p0 =	sne.s32 s0, $0x0;
	_ =	strace $0x90000047  }
0x35: {  	s0 =	sadd.s32 @!p0 $0x100000, s2;
	[bflag:$0x2] =	sbarrier.arrive $0xFFFF  }
0x36: {  	[sflag:s0] =	ssyncadd.tile.s32 @!p0 $0x1;
	_ =	shalt  }
.Lfunc_end2:
_tile_overlayer_lowered:
.L_overlay_start_2:
0x37: {  	(tag) =	ssettag $0x2  }
0x38: {  	s0 =	rddreg [dreg:$0x0];
	s2 =	stileid.u32  }
0x39: {  	s1 =	rddreg [dreg:$0x1];
	p0 =	sne.s32 s2, $0x0  }
0x3a: {  	s3 =	rddreg [dreg:$0x2];
	[bflag:$0x3] =	sbarrier.arrive $0xFFFF;
	s2 =	simm.s32 @!p0 $0x1C02  }
0x3b: {  	[timem:s3], [sflag:s2] =	dma.local @!p0 [hbm:s0], s1  }
0x3c: {  	s0 =	simm.s32 @!p0 $0x2  }
0x3d: {  	_ =	swait.ge @!p0 [sflag:s0], s1  }
0x3e: {  	s1 =	ssub.s32 @!p0 $0x0, s1;
	[sflag:s0] =	ssyncset.done @!p0 $0x0  }
0x3f: {  	[sflag:s0] =	ssyncadd.s32 @!p0 s1  }
0x40: {  	[bflag:$0x3] =	sbarrier.arrive $0xFFFF  }
0x41: {  	_ =	shalt  }

</sc_bundles>
